<compile_context>
chip_gen: v7x
topology: tpu7x:2x2x1
jax: 0.10.2.dev20260603
libtpu: 0.0.44.dev20260713+nightly
codegen_flags: <defaults>
</compile_context>

<pallas_src>
import dataclasses

import jax
import jax.numpy as jnp
from jax import lax
from jax.experimental import pallas as pl
from jax.experimental.pallas import tpu as pltpu
from jax.experimental.pallas import tpu_sc as plsc

C_DIM = 256
OUT_DIM = 16
CW, CH, CD = 16, 16, 16
NCELL = CW * CH * CD
PITCH = NCELL + 17
ACC_LEN = OUT_DIM * PITCH

NEG = -3.0e38


BLK = 4096


def _mlp_body(x_ref, w1t_ref, b1_ref, w2p_ref, rsp_ref, cb_ref, o_ref):
    xt = x_ref[...]
    h = lax.dot_general(xt.astype(jnp.bfloat16), w1t_ref[...],
                        (((0,), (0,)), ((), ())),
                        preferred_element_type=jnp.float32)
    hb = jnp.maximum(h + b1_ref[...], 0.0).astype(jnp.bfloat16)
    cell = jnp.clip(jnp.floor(xt * 16.0).astype(jnp.int32), 0, 15)
    hi = (cell[0:1, :] * CH + cell[1:2, :]).astype(jnp.bfloat16)
    lo = cell[2:3, :].astype(jnp.bfloat16)
    hl = jnp.concatenate([hi, lo], axis=0)
    sub = BLK // 4
    tot = cb_ref[...]
    for g in range(4):
        tot = tot + lax.dot_general(
            hb[g * sub:(g + 1) * sub], w2p_ref[g * C_DIM:(g + 1) * C_DIM],
            (((1,), (0,)), ((), ())), preferred_element_type=jnp.float32)
        tot = tot + lax.dot_general(
            hl[:, g * sub:(g + 1) * sub], rsp_ref[g * 2:g * 2 + 2],
            (((0,), (0,)), ((), ())), preferred_element_type=jnp.float32)
    ai = lax.bitcast_convert_type(tot.astype(jnp.int32), jnp.float32)
    is_feat = (lax.broadcasted_iota(jnp.int32, (sub, 128), 1)
               // OUT_DIM) % 2 == 0
    o_ref[...] = jnp.where(is_feat, tot, ai)


def _run_mlp(xt, W1, b1, W2, b2):
    m = xt.shape[1]
    grid = (m // BLK,)
    w2t = W2.T.astype(jnp.bfloat16)
    w2p = jnp.concatenate(
        [jnp.pad(w2t, ((0, 0), (g * 32, 112 - g * 32))) for g in range(4)],
        axis=0)
    rs = jnp.concatenate(
        [jnp.full((1, OUT_DIM), CD, jnp.bfloat16),
         jnp.full((1, OUT_DIM), 1, jnp.bfloat16)], axis=0)
    rsp = jnp.concatenate(
        [jnp.pad(rs, ((0, 0), (g * 32 + 16, 96 - g * 32))) for g in range(4)],
        axis=0)
    cb = jnp.tile(
        jnp.concatenate([b2, jnp.arange(OUT_DIM, dtype=jnp.float32) * PITCH]),
        4).reshape(1, 128)
    return pl.pallas_call(
        _mlp_body,
        grid=grid,
        in_specs=[
            pl.BlockSpec((3, BLK), lambda i: (0, i)),
            pl.BlockSpec((3, C_DIM), lambda i: (0, 0)),
            pl.BlockSpec((1, C_DIM), lambda i: (0, 0)),
            pl.BlockSpec((4 * C_DIM, 128), lambda i: (0, 0)),
            pl.BlockSpec((8, 128), lambda i: (0, 0)),
            pl.BlockSpec((1, 128), lambda i: (0, 0)),
        ],
        out_specs=pl.BlockSpec((BLK // 4, 128), lambda i: (i, 0)),
        out_shape=jax.ShapeDtypeStruct((m // 4, 128), jnp.float32),
    )(xt, W1.T.astype(jnp.bfloat16), b1.reshape(1, C_DIM), w2p, rsp, cb)



NWORK = 32
CHUNK = 512


CHW = CHUNK * 2 * OUT_DIM


def _sc_pool_body(fa_hbm, out_hbm, b0, b1, acc, s0, s1):
    c = lax.axis_index("c")
    s = lax.axis_index("s")
    wid = c * 16 + s
    npts = fa_hbm.shape[0] // (NWORK * 2 * OUT_DIM)
    nch = npts // CHUNK
    base = wid * npts * 2 * OUT_DIM

    @pl.loop(0, ACC_LEN, step=16)
    def _(i):
        acc[pl.ds(i, 16)] = jnp.full((16,), NEG, jnp.float32)

    pltpu.async_copy(fa_hbm.at[pl.ds(base, CHW)], b0, s0)
    pltpu.async_copy(fa_hbm.at[pl.ds(base + CHW, CHW)], b1, s1)

    def proc(buf):
        @pl.loop(0, CHUNK, step=4)
        def _(p):
            for u in range(4):
                val = buf[pl.ds((p + u) * 32, OUT_DIM)]
                idx = plsc.bitcast(
                    buf[pl.ds((p + u) * 32 + OUT_DIM, OUT_DIM)], jnp.int32)
                old = plsc.load_gather(acc, [idx])
                plsc.store_scatter(acc, [idx], jnp.maximum(old, val))

    @pl.loop(0, nch, step=2)
    def _(ci):
        r0 = base + ci * CHW
        pltpu.make_async_copy(fa_hbm.at[pl.ds(r0, CHW)], b0, s0).wait()
        proc(b0)

        @pl.when(ci + 2 < nch)
        def _():
            pltpu.async_copy(
                fa_hbm.at[pl.ds(base + (ci + 2) * CHW, CHW)], b0, s0)

        pltpu.make_async_copy(
            fa_hbm.at[pl.ds(base + (ci + 1) * CHW, CHW)], b1, s1).wait()
        proc(b1)

        @pl.when(ci + 3 < nch)
        def _():
            pltpu.async_copy(
                fa_hbm.at[pl.ds(base + (ci + 3) * CHW, CHW)], b1, s1)

    lane = lax.broadcasted_iota(jnp.int32, (16,), 0)

    @pl.loop(0, OUT_DIM)
    def _(f):
        @pl.loop(0, NCELL, step=16)
        def _(cc):
            b0[pl.ds(cc, 16)] = plsc.load_gather(
                acc, [f * PITCH + cc + lane])
        pltpu.sync_copy(b0.at[pl.ds(0, NCELL)],
                        out_hbm.at[wid, pl.ds(f * NCELL, NCELL)])


def _run_sc_pool(fa):
    mesh = plsc.VectorSubcoreMesh(core_axis_name="c", subcore_axis_name="s")
    cp = pltpu.CompilerParams()
    if "needs_layout_passes" in pltpu.CompilerParams.__dataclass_fields__:
        cp = dataclasses.replace(cp, needs_layout_passes=False)
    fn = pl.kernel(
        _sc_pool_body,
        out_type=jax.ShapeDtypeStruct((NWORK, OUT_DIM * NCELL), jnp.float32),
        mesh=mesh,
        scratch_types=[
            pltpu.VMEM((CHW,), jnp.float32),
            pltpu.VMEM((CHW,), jnp.float32),
            pltpu.VMEM((ACC_LEN,), jnp.float32),
            pltpu.SemaphoreType.DMA,
            pltpu.SemaphoreType.DMA,
        ],
        compiler_params=cp,
    )
    return fn(fa)




def _merge_body(p_ref, o_ref):
    m = jnp.maximum(p_ref[0, 0], p_ref[0, 1])
    o_ref[0] = jnp.where(m > -1.0e38, m, 0.0)


def _run_merge(partials, nb):
    p4 = partials.reshape(nb, 2, 512, 128)
    return pl.pallas_call(
        _merge_body,
        grid=(nb,),
        in_specs=[pl.BlockSpec((1, 2, 512, 128), lambda i: (i, 0, 0, 0))],
        out_specs=pl.BlockSpec((1, 512, 128), lambda i: (i, 0, 0)),
        out_shape=jax.ShapeDtypeStruct((nb, 512, 128), jnp.float32),
    )(p4)


def kernel(x, W1, b1, W2, b2):
    nb, npts, _ = x.shape
    xt = x.transpose(2, 0, 1).reshape(3, nb * npts)
    fa = _run_mlp(xt, W1, b1, W2, b2)
    partials = _run_sc_pool(fa.reshape(-1))
    merged = _run_merge(partials, nb)
    grid3 = merged.reshape(nb, OUT_DIM, CW, CH, CD)
    return jnp.pad(grid3, ((0, 0), (0, 0), (0, 1), (0, 1), (0, 1)))

# --- scband reference (transcript-rebuilt; emitter-appended) ---
"""Pipeline reference for scband-point-net-local-44753559224571 (READ-ONLY COPY).

The authoritative reference and input builder live on the scoring server;
editing this copy changes nothing except your own understanding.
"""

import jax, jax.numpy as jnp
import numpy as np

C_DIM = 256
OUT_DIM = 16
CW, CH, CD = 16, 16, 16
B, N = 16, 32768


def setup_inputs(seed: int = 0) -> dict:
    key = jax.random.key(seed)
    k1, k2, k3 = jax.random.split(key, 3)
    x = jax.random.uniform(k1, (B, N, 3), dtype=jnp.float32)
    # conv1: Conv1d(3, c_dim, kernel=1) == pointwise linear [c_dim, 3]
    W1 = jax.random.normal(k2, (C_DIM, 3), dtype=jnp.float32) * 0.1
    b1 = jnp.zeros((C_DIM,), jnp.float32)
    # conv2: Conv1d(c_dim, out_dim, kernel=1)
    W2 = jax.random.normal(k3, (OUT_DIM, C_DIM), dtype=jnp.float32) * 0.05
    b2 = jnp.zeros((OUT_DIM,), jnp.float32)
    return {"x": x, "W1": W1, "b1": b1, "W2": W2, "b2": b2}


def reference(x, W1, b1, W2, b2):
    Bq, Nq, _ = x.shape
    # conv1 (1x1 conv == per-point linear) + ReLU
    feats = jax.nn.relu(jnp.einsum('bnd,cd->bnc', x, W1) + b1)
    # conv2
    feats = jnp.einsum('bnc,oc->bno', feats, W2) + b2  # [B, N, OUT_DIM]
    # GridPooling: max-pool point features into voxel cells, 0 if empty
    ncells = CW * CH * CD
    grid = jnp.array([CW, CH, CD], jnp.float32)
    cell = jnp.floor(x * grid).astype(jnp.int32)
    cell = jnp.clip(cell, 0, jnp.array([CW - 1, CH - 1, CD - 1], jnp.int32))
    flat = cell[..., 0] * (CH * CD) + cell[..., 1] * CD + cell[..., 2]  # [B, N]
    seg = (jnp.arange(Bq, dtype=jnp.int32)[:, None] * ncells + flat).reshape(-1)
    data = feats.reshape(Bq * Nq, OUT_DIM)
    pooled = jax.ops.segment_max(data, seg, num_segments=Bq * ncells)
    counts = jax.ops.segment_sum(jnp.ones((Bq * Nq,), jnp.float32), seg,
                                 num_segments=Bq * ncells)
    pooled = jnp.where(counts[:, None] > 0, pooled, 0.0)
    feat_cell = pooled.reshape(Bq, ncells, OUT_DIM)
    feat_cell = jnp.transpose(feat_cell, (0, 2, 1)).reshape(Bq, OUT_DIM, CW, CH, CD)
    # expand=1: pad to (W+1, H+1, D+1) with zeros
    out = jnp.zeros((Bq, OUT_DIM, CW + 1, CH + 1, CD + 1), feat_cell.dtype)
    out = out.at[:, :, :-1, :-1, :-1].set(feat_cell)
    return out

if __name__ == "__main__":
    import jax
    _d = setup_inputs()
    print(jax.jit(kernel)(*tuple(_d.values())))

</pallas_src>

<mosaic_0001>
#map = affine_map<(d0, d1) -> (0)>
#map1 = affine_map<(d0, d1) -> (0, 0)>
module attributes {stable_mosaic.version = 14 : i64} {
  func.func @_sc_pool_body(%arg0: i32, %arg1: i32, %arg2: memref<16777216xf32, #tpu.memory_space<hbm>>, %arg3: memref<32x65536xf32, #tpu.memory_space<hbm>>, %arg4: memref<16384xf32, #tpu.memory_space<vmem>>, %arg5: memref<16384xf32, #tpu.memory_space<vmem>>, %arg6: memref<65808xf32, #tpu.memory_space<vmem>>, %arg7: memref<!tpu.dma_semaphore, #tpu.memory_space<semaphore_mem>>, %arg8: memref<!tpu.dma_semaphore, #tpu.memory_space<semaphore_mem>>) attributes {dimension_semantics = [#tpu.dimension_semantics<core_parallel>, #tpu.dimension_semantics<subcore_parallel>], iteration_bounds = array<i64: 2, 16>, scalar_prefetch = 0 : i64, scratch_operands = 5 : i64, tpu.core_type = #tpu.core_type<sc_vector_subcore>, window_params = [{transform_indices = #map}, {transform_indices = #map1}]} {
    %mul3A = arith.constant 16 : i32
    %mul3A_0 = arith.muli %arg0, %mul3A : i32
    %add3A = arith.addi %mul3A_0, %arg1 : i32
    %mul3A_1 = arith.constant 16384 : i32
    %mul3A_2 = arith.muli %add3A, %mul3A_1 : i32
    %mul3A_3 = arith.constant 2 : i32
    %mul3A_4 = arith.muli %mul3A_2, %mul3A_3 : i32
    %mul3A_5 = arith.constant 16 : i32
    %mul3A_6 = arith.muli %mul3A_4, %mul3A_5 : i32
    %scan3A = arith.constant 0 : i32
    %scan3A_7 = arith.constant 4113 : i32
    %scan3A_8 = arith.addi %scan3A, %scan3A_7 : i32
    %scan3A_9 = arith.constant 1 : i32
    scf.for %scan3A_26 = %scan3A to %scan3A_8 step %scan3A_9  : i32 {
      %mul3A_27 = arith.constant 16 : i32
      %mul3A_28 = arith.muli %scan3A_26, %mul3A_27 : i32
      %add3A_29 = arith.constant 0 : i32
      %add3A_30 = arith.addi %add3A_29, %mul3A_28 : i32
      %broadcast_in_dim3A = arith.constant -3.000000e+38 : f32
      %broadcast_in_dim3A_31 = vector.broadcast %broadcast_in_dim3A : f32 to vector<16xf32>
      %swap3A = arith.index_cast %add3A_30 : i32 to index
      %swap3A_32 = tpu.vector_load %arg6[%swap3A] {strides = array<i32>} : memref<65808xf32, #tpu.memory_space<vmem>>, vector<16xf32>,
      tpu.vector_store %arg6[%swap3A], %broadcast_in_dim3A_31 {strides = array<i32>} : memref<65808xf32, #tpu.memory_space<vmem>>, vector<16xf32>,
    }
    %scan3A_10 = arith.constant 4113 : i32
    %dma_start3A = tpu.memref_slice %arg2[%mul3A_6] : memref<16777216xf32, #tpu.memory_space<hbm>> -> memref<16384xf32, #tpu.memory_space<hbm>>
    %dma_start3A_11 = tpu.memref_slice %arg2[%mul3A_6] : memref<16777216xf32, #tpu.memory_space<hbm>> -> memref<16384xf32, #tpu.memory_space<hbm>>
    tpu.enqueue_dma source(%dma_start3A_11 : memref<16384xf32, #tpu.memory_space<hbm>>) target(%arg4 : memref<16384xf32, #tpu.memory_space<vmem>>) target_semaphore(%arg7 : memref<!tpu.dma_semaphore, #tpu.memory_space<semaphore_mem>>)
    %add3A_12 = arith.constant 16384 : i32
    %add3A_13 = arith.addi %mul3A_6, %add3A_12 : i32
    %dma_start3A_14 = tpu.memref_slice %arg2[%add3A_13] : memref<16777216xf32, #tpu.memory_space<hbm>> -> memref<16384xf32, #tpu.memory_space<hbm>>
    %dma_start3A_15 = tpu.memref_slice %arg2[%add3A_13] : memref<16777216xf32, #tpu.memory_space<hbm>> -> memref<16384xf32, #tpu.memory_space<hbm>>
    tpu.enqueue_dma source(%dma_start3A_15 : memref<16384xf32, #tpu.memory_space<hbm>>) target(%arg5 : memref<16384xf32, #tpu.memory_space<vmem>>) target_semaphore(%arg8 : memref<!tpu.dma_semaphore, #tpu.memory_space<semaphore_mem>>)
    %scan3A_16 = arith.constant 0 : i32
    %scan3A_17 = arith.constant 16 : i32
    %scan3A_18 = arith.addi %scan3A_16, %scan3A_17 : i32
    %scan3A_19 = arith.constant 1 : i32
    scf.for %scan3A_26 = %scan3A_16 to %scan3A_18 step %scan3A_19  : i32 {
      %mul3A_27 = arith.constant 2 : i32
      %mul3A_28 = arith.muli %scan3A_26, %mul3A_27 : i32
      %add3A_29 = arith.constant 0 : i32
      %add3A_30 = arith.addi %add3A_29, %mul3A_28 : i32
      %mul3A_31 = arith.constant 16384 : i32
      %mul3A_32 = arith.muli %add3A_30, %mul3A_31 : i32
      %add3A_33 = arith.addi %mul3A_6, %mul3A_32 : i32
      %dma_wait3A = tpu.memref_slice %arg2[%add3A_33] : memref<16777216xf32, #tpu.memory_space<hbm>> -> memref<16384xf32, #tpu.memory_space<hbm>>
      %dma_wait3A_34 = tpu.memref_slice %arg2[%add3A_33] : memref<16777216xf32, #tpu.memory_space<hbm>> -> memref<16384xf32, #tpu.memory_space<hbm>>
      tpu.wait_dma2 semaphore(%arg7 : memref<!tpu.dma_semaphore, #tpu.memory_space<semaphore_mem>>) src(%dma_wait3A_34 : memref<16384xf32, #tpu.memory_space<hbm>>) dst(%arg4 : memref<16384xf32, #tpu.memory_space<vmem>>)
      %scan3A_35 = arith.constant 0 : i32
      %scan3A_36 = arith.constant 128 : i32
      %scan3A_37 = arith.addi %scan3A_35, %scan3A_36 : i32
      %scan3A_38 = arith.constant 1 : i32
      scf.for %scan3A_63 = %scan3A_35 to %scan3A_37 step %scan3A_38  : i32 {
        %mul3A_64 = arith.constant 4 : i32
        %mul3A_65 = arith.muli %scan3A_63, %mul3A_64 : i32
        %add3A_66 = arith.constant 0 : i32
        %add3A_67 = arith.addi %add3A_66, %mul3A_65 : i32
        %add3A_68 = arith.constant 0 : i32
        %add3A_69 = arith.addi %add3A_67, %add3A_68 : i32
        %mul3A_70 = arith.constant 32 : i32
        %mul3A_71 = arith.muli %add3A_69, %mul3A_70 : i32
        %get3A = arith.index_cast %mul3A_71 : i32 to index
        %get3A_72 = tpu.vector_load %arg4[%get3A] {strides = array<i32>} : memref<16384xf32, #tpu.memory_space<vmem>>, vector<16xf32>,
        %add3A_73 = arith.constant 0 : i32
        %add3A_74 = arith.addi %add3A_67, %add3A_73 : i32
        %mul3A_75 = arith.constant 32 : i32
        %mul3A_76 = arith.muli %add3A_74, %mul3A_75 : i32
        %add3A_77 = arith.constant 16 : i32
        %add3A_78 = arith.addi %mul3A_76, %add3A_77 : i32
        %get3A_79 = arith.index_cast %add3A_78 : i32 to index
        %get3A_80 = tpu.vector_load %arg4[%get3A_79] {strides = array<i32>} : memref<16384xf32, #tpu.memory_space<vmem>>, vector<16xf32>,
        %bitcast3A = vector.bitcast %get3A_80 : vector<16xf32> to vector<16xi32>
        %gather3A = tpu.vector_load_idx %arg6[%bitcast3A] : memref<65808xf32, #tpu.memory_space<vmem>>[vector<16xi32>], vector<16xf32>,
        %max3A = arith.maximumf %gather3A, %get3A_72 : vector<16xf32>
        tpu.vector_store_idx %arg6[%bitcast3A], %max3A : memref<65808xf32, #tpu.memory_space<vmem>>[vector<16xi32>], vector<16xf32>,
        %add3A_81 = arith.constant 1 : i32
        %add3A_82 = arith.addi %add3A_67, %add3A_81 : i32
        %mul3A_83 = arith.constant 32 : i32
        %mul3A_84 = arith.muli %add3A_82, %mul3A_83 : i32
        %get3A_85 = arith.index_cast %mul3A_84 : i32 to index
        %get3A_86 = tpu.vector_load %arg4[%get3A_85] {strides = array<i32>} : memref<16384xf32, #tpu.memory_space<vmem>>, vector<16xf32>,
        %add3A_87 = arith.constant 1 : i32
        %add3A_88 = arith.addi %add3A_67, %add3A_87 : i32
        %mul3A_89 = arith.constant 32 : i32
        %mul3A_90 = arith.muli %add3A_88, %mul3A_89 : i32
        %add3A_91 = arith.constant 16 : i32
        %add3A_92 = arith.addi %mul3A_90, %add3A_91 : i32
        %get3A_93 = arith.index_cast %add3A_92 : i32 to index
        %get3A_94 = tpu.vector_load %arg4[%get3A_93] {strides = array<i32>} : memref<16384xf32, #tpu.memory_space<vmem>>, vector<16xf32>,
        %bitcast3A_95 = vector.bitcast %get3A_94 : vector<16xf32> to vector<16xi32>
        %gather3A_96 = tpu.vector_load_idx %arg6[%bitcast3A_95] : memref<65808xf32, #tpu.memory_space<vmem>>[vector<16xi32>], vector<16xf32>,
        %max3A_97 = arith.maximumf %gather3A_96, %get3A_86 : vector<16xf32>
        tpu.vector_store_idx %arg6[%bitcast3A_95], %max3A_97 : memref<65808xf32, #tpu.memory_space<vmem>>[vector<16xi32>], vector<16xf32>,
        %add3A_98 = arith.constant 2 : i32
        %add3A_99 = arith.addi %add3A_67, %add3A_98 : i32
        %mul3A_100 = arith.constant 32 : i32
        %mul3A_101 = arith.muli %add3A_99, %mul3A_100 : i32
        %get3A_102 = arith.index_cast %mul3A_101 : i32 to index
        %get3A_103 = tpu.vector_load %arg4[%get3A_102] {strides = array<i32>} : memref<16384xf32, #tpu.memory_space<vmem>>, vector<16xf32>,
        %add3A_104 = arith.constant 2 : i32
        %add3A_105 = arith.addi %add3A_67, %add3A_104 : i32
        %mul3A_106 = arith.constant 32 : i32
        %mul3A_107 = arith.muli %add3A_105, %mul3A_106 : i32
        %add3A_108 = arith.constant 16 : i32
        %add3A_109 = arith.addi %mul3A_107, %add3A_108 : i32
        %get3A_110 = arith.index_cast %add3A_109 : i32 to index
        %get3A_111 = tpu.vector_load %arg4[%get3A_110] {strides = array<i32>} : memref<16384xf32, #tpu.memory_space<vmem>>, vector<16xf32>,
        %bitcast3A_112 = vector.bitcast %get3A_111 : vector<16xf32> to vector<16xi32>
        %gather3A_113 = tpu.vector_load_idx %arg6[%bitcast3A_112] : memref<65808xf32, #tpu.memory_space<vmem>>[vector<16xi32>], vector<16xf32>,
        %max3A_114 = arith.maximumf %gather3A_113, %get3A_103 : vector<16xf32>
        tpu.vector_store_idx %arg6[%bitcast3A_112], %max3A_114 : memref<65808xf32, #tpu.memory_space<vmem>>[vector<16xi32>], vector<16xf32>,
        %add3A_115 = arith.constant 3 : i32
        %add3A_116 = arith.addi %add3A_67, %add3A_115 : i32
        %mul3A_117 = arith.constant 32 : i32
        %mul3A_118 = arith.muli %add3A_116, %mul3A_117 : i32
        %get3A_119 = arith.index_cast %mul3A_118 : i32 to index
        %get3A_120 = tpu.vector_load %arg4[%get3A_119] {strides = array<i32>} : memref<16384xf32, #tpu.memory_space<vmem>>, vector<16xf32>,
        %add3A_121 = arith.constant 3 : i32
        %add3A_122 = arith.addi %add3A_67, %add3A_121 : i32
        %mul3A_123 = arith.constant 32 : i32
        %mul3A_124 = arith.muli %add3A_122, %mul3A_123 : i32
        %add3A_125 = arith.constant 16 : i32
        %add3A_126 = arith.addi %mul3A_124, %add3A_125 : i32
        %get3A_127 = arith.index_cast %add3A_126 : i32 to index
        %get3A_128 = tpu.vector_load %arg4[%get3A_127] {strides = array<i32>} : memref<16384xf32, #tpu.memory_space<vmem>>, vector<16xf32>,
        %bitcast3A_129 = vector.bitcast %get3A_128 : vector<16xf32> to vector<16xi32>
        %gather3A_130 = tpu.vector_load_idx %arg6[%bitcast3A_129] : memref<65808xf32, #tpu.memory_space<vmem>>[vector<16xi32>], vector<16xf32>,
        %max3A_131 = arith.maximumf %gather3A_130, %get3A_120 : vector<16xf32>
        tpu.vector_store_idx %arg6[%bitcast3A_129], %max3A_131 : memref<65808xf32, #tpu.memory_space<vmem>>[vector<16xi32>], vector<16xf32>,
      }
      %scan3A_39 = arith.constant 128 : i32
      %add3A_40 = arith.constant 2 : i32
      %add3A_41 = arith.addi %add3A_30, %add3A_40 : i32
      %lt3A = arith.constant 32 : i32
      %lt3A_42 = arith.cmpi slt, %add3A_41, %lt3A : i32
      %convert_element_type3A = arith.extui %lt3A_42 : i1 to i32
      %cond3A = arith.constant 0 : i32
      %cond3A_43 = arith.cmpi ne, %convert_element_type3A, %cond3A : i32
      scf.if %cond3A_43 {
        %add3A_63 = arith.constant 2 : i32
        %add3A_64 = arith.addi %add3A_30, %add3A_63 : i32
        %mul3A_65 = arith.constant 16384 : i32
        %mul3A_66 = arith.muli %add3A_64, %mul3A_65 : i32
        %add3A_67 = arith.addi %mul3A_6, %mul3A_66 : i32
        %dma_start3A_68 = tpu.memref_slice %arg2[%add3A_67] : memref<16777216xf32, #tpu.memory_space<hbm>> -> memref<16384xf32, #tpu.memory_space<hbm>>
        %dma_start3A_69 = tpu.memref_slice %arg2[%add3A_67] : memref<16777216xf32, #tpu.memory_space<hbm>> -> memref<16384xf32, #tpu.memory_space<hbm>>
        tpu.enqueue_dma source(%dma_start3A_69 : memref<16384xf32, #tpu.memory_space<hbm>>) target(%arg4 : memref<16384xf32, #tpu.memory_space<vmem>>) target_semaphore(%arg7 : memref<!tpu.dma_semaphore, #tpu.memory_space<semaphore_mem>>)
      } else {
      }
      %add3A_44 = arith.constant 1 : i32
      %add3A_45 = arith.addi %add3A_30, %add3A_44 : i32
      %mul3A_46 = arith.constant 16384 : i32
      %mul3A_47 = arith.muli %add3A_45, %mul3A_46 : i32
      %add3A_48 = arith.addi %mul3A_6, %mul3A_47 : i32
      %dma_wait3A_49 = tpu.memref_slice %arg2[%add3A_48] : memref<16777216xf32, #tpu.memory_space<hbm>> -> memref<16384xf32, #tpu.memory_space<hbm>>
      %dma_wait3A_50 = tpu.memref_slice %arg2[%add3A_48] : memref<16777216xf32, #tpu.memory_space<hbm>> -> memref<16384xf32, #tpu.memory_space<hbm>>
      tpu.wait_dma2 semaphore(%arg8 : memref<!tpu.dma_semaphore, #tpu.memory_space<semaphore_mem>>) src(%dma_wait3A_50 : memref<16384xf32, #tpu.memory_space<hbm>>) dst(%arg5 : memref<16384xf32, #tpu.memory_space<vmem>>)
      %scan3A_51 = arith.constant 0 : i32
      %scan3A_52 = arith.constant 128 : i32
      %scan3A_53 = arith.addi %scan3A_51, %scan3A_52 : i32
      %scan3A_54 = arith.constant 1 : i32
      scf.for %scan3A_63 = %scan3A_51 to %scan3A_53 step %scan3A_54  : i32 {
        %mul3A_64 = arith.constant 4 : i32
        %mul3A_65 = arith.muli %scan3A_63, %mul3A_64 : i32
        %add3A_66 = arith.constant 0 : i32
        %add3A_67 = arith.addi %add3A_66, %mul3A_65 : i32
        %add3A_68 = arith.constant 0 : i32
        %add3A_69 = arith.addi %add3A_67, %add3A_68 : i32
        %mul3A_70 = arith.constant 32 : i32
        %mul3A_71 = arith.muli %add3A_69, %mul3A_70 : i32
        %get3A = arith.index_cast %mul3A_71 : i32 to index
        %get3A_72 = tpu.vector_load %arg5[%get3A] {strides = array<i32>} : memref<16384xf32, #tpu.memory_space<vmem>>, vector<16xf32>,
        %add3A_73 = arith.constant 0 : i32
        %add3A_74 = arith.addi %add3A_67, %add3A_73 : i32
        %mul3A_75 = arith.constant 32 : i32
        %mul3A_76 = arith.muli %add3A_74, %mul3A_75 : i32
        %add3A_77 = arith.constant 16 : i32
        %add3A_78 = arith.addi %mul3A_76, %add3A_77 : i32
        %get3A_79 = arith.index_cast %add3A_78 : i32 to index
        %get3A_80 = tpu.vector_load %arg5[%get3A_79] {strides = array<i32>} : memref<16384xf32, #tpu.memory_space<vmem>>, vector<16xf32>,
        %bitcast3A = vector.bitcast %get3A_80 : vector<16xf32> to vector<16xi32>
        %gather3A = tpu.vector_load_idx %arg6[%bitcast3A] : memref<65808xf32, #tpu.memory_space<vmem>>[vector<16xi32>], vector<16xf32>,
        %max3A = arith.maximumf %gather3A, %get3A_72 : vector<16xf32>
        tpu.vector_store_idx %arg6[%bitcast3A], %max3A : memref<65808xf32, #tpu.memory_space<vmem>>[vector<16xi32>], vector<16xf32>,
        %add3A_81 = arith.constant 1 : i32
        %add3A_82 = arith.addi %add3A_67, %add3A_81 : i32
        %mul3A_83 = arith.constant 32 : i32
        %mul3A_84 = arith.muli %add3A_82, %mul3A_83 : i32
        %get3A_85 = arith.index_cast %mul3A_84 : i32 to index
        %get3A_86 = tpu.vector_load %arg5[%get3A_85] {strides = array<i32>} : memref<16384xf32, #tpu.memory_space<vmem>>, vector<16xf32>,
        %add3A_87 = arith.constant 1 : i32
        %add3A_88 = arith.addi %add3A_67, %add3A_87 : i32
        %mul3A_89 = arith.constant 32 : i32
        %mul3A_90 = arith.muli %add3A_88, %mul3A_89 : i32
        %add3A_91 = arith.constant 16 : i32
        %add3A_92 = arith.addi %mul3A_90, %add3A_91 : i32
        %get3A_93 = arith.index_cast %add3A_92 : i32 to index
        %get3A_94 = tpu.vector_load %arg5[%get3A_93] {strides = array<i32>} : memref<16384xf32, #tpu.memory_space<vmem>>, vector<16xf32>,
        %bitcast3A_95 = vector.bitcast %get3A_94 : vector<16xf32> to vector<16xi32>
        %gather3A_96 = tpu.vector_load_idx %arg6[%bitcast3A_95] : memref<65808xf32, #tpu.memory_space<vmem>>[vector<16xi32>], vector<16xf32>,
        %max3A_97 = arith.maximumf %gather3A_96, %get3A_86 : vector<16xf32>
        tpu.vector_store_idx %arg6[%bitcast3A_95], %max3A_97 : memref<65808xf32, #tpu.memory_space<vmem>>[vector<16xi32>], vector<16xf32>,
        %add3A_98 = arith.constant 2 : i32
        %add3A_99 = arith.addi %add3A_67, %add3A_98 : i32
        %mul3A_100 = arith.constant 32 : i32
        %mul3A_101 = arith.muli %add3A_99, %mul3A_100 : i32
        %get3A_102 = arith.index_cast %mul3A_101 : i32 to index
        %get3A_103 = tpu.vector_load %arg5[%get3A_102] {strides = array<i32>} : memref<16384xf32, #tpu.memory_space<vmem>>, vector<16xf32>,
        %add3A_104 = arith.constant 2 : i32
        %add3A_105 = arith.addi %add3A_67, %add3A_104 : i32
        %mul3A_106 = arith.constant 32 : i32
        %mul3A_107 = arith.muli %add3A_105, %mul3A_106 : i32
        %add3A_108 = arith.constant 16 : i32
        %add3A_109 = arith.addi %mul3A_107, %add3A_108 : i32
        %get3A_110 = arith.index_cast %add3A_109 : i32 to index
        %get3A_111 = tpu.vector_load %arg5[%get3A_110] {strides = array<i32>} : memref<16384xf32, #tpu.memory_space<vmem>>, vector<16xf32>,
        %bitcast3A_112 = vector.bitcast %get3A_111 : vector<16xf32> to vector<16xi32>
        %gather3A_113 = tpu.vector_load_idx %arg6[%bitcast3A_112] : memref<65808xf32, #tpu.memory_space<vmem>>[vector<16xi32>], vector<16xf32>,
        %max3A_114 = arith.maximumf %gather3A_113, %get3A_103 : vector<16xf32>
        tpu.vector_store_idx %arg6[%bitcast3A_112], %max3A_114 : memref<65808xf32, #tpu.memory_space<vmem>>[vector<16xi32>], vector<16xf32>,
        %add3A_115 = arith.constant 3 : i32
        %add3A_116 = arith.addi %add3A_67, %add3A_115 : i32
        %mul3A_117 = arith.constant 32 : i32
        %mul3A_118 = arith.muli %add3A_116, %mul3A_117 : i32
        %get3A_119 = arith.index_cast %mul3A_118 : i32 to index
        %get3A_120 = tpu.vector_load %arg5[%get3A_119] {strides = array<i32>} : memref<16384xf32, #tpu.memory_space<vmem>>, vector<16xf32>,
        %add3A_121 = arith.constant 3 : i32
        %add3A_122 = arith.addi %add3A_67, %add3A_121 : i32
        %mul3A_123 = arith.constant 32 : i32
        %mul3A_124 = arith.muli %add3A_122, %mul3A_123 : i32
        %add3A_125 = arith.constant 16 : i32
        %add3A_126 = arith.addi %mul3A_124, %add3A_125 : i32
        %get3A_127 = arith.index_cast %add3A_126 : i32 to index
        %get3A_128 = tpu.vector_load %arg5[%get3A_127] {strides = array<i32>} : memref<16384xf32, #tpu.memory_space<vmem>>, vector<16xf32>,
        %bitcast3A_129 = vector.bitcast %get3A_128 : vector<16xf32> to vector<16xi32>
        %gather3A_130 = tpu.vector_load_idx %arg6[%bitcast3A_129] : memref<65808xf32, #tpu.memory_space<vmem>>[vector<16xi32>], vector<16xf32>,
        %max3A_131 = arith.maximumf %gather3A_130, %get3A_120 : vector<16xf32>
        tpu.vector_store_idx %arg6[%bitcast3A_129], %max3A_131 : memref<65808xf32, #tpu.memory_space<vmem>>[vector<16xi32>], vector<16xf32>,
      }
      %scan3A_55 = arith.constant 128 : i32
      %add3A_56 = arith.constant 3 : i32
      %add3A_57 = arith.addi %add3A_30, %add3A_56 : i32
      %lt3A_58 = arith.constant 32 : i32
      %lt3A_59 = arith.cmpi slt, %add3A_57, %lt3A_58 : i32
      %convert_element_type3A_60 = arith.extui %lt3A_59 : i1 to i32
      %cond3A_61 = arith.constant 0 : i32
      %cond3A_62 = arith.cmpi ne, %convert_element_type3A_60, %cond3A_61 : i32
      scf.if %cond3A_62 {
        %add3A_63 = arith.constant 3 : i32
        %add3A_64 = arith.addi %add3A_30, %add3A_63 : i32
        %mul3A_65 = arith.constant 16384 : i32
        %mul3A_66 = arith.muli %add3A_64, %mul3A_65 : i32
        %add3A_67 = arith.addi %mul3A_6, %mul3A_66 : i32
        %dma_start3A_68 = tpu.memref_slice %arg2[%add3A_67] : memref<16777216xf32, #tpu.memory_space<hbm>> -> memref<16384xf32, #tpu.memory_space<hbm>>
        %dma_start3A_69 = tpu.memref_slice %arg2[%add3A_67] : memref<16777216xf32, #tpu.memory_space<hbm>> -> memref<16384xf32, #tpu.memory_space<hbm>>
        tpu.enqueue_dma source(%dma_start3A_69 : memref<16384xf32, #tpu.memory_space<hbm>>) target(%arg5 : memref<16384xf32, #tpu.memory_space<vmem>>) target_semaphore(%arg8 : memref<!tpu.dma_semaphore, #tpu.memory_space<semaphore_mem>>)
      } else {
      }
    }
    %scan3A_20 = arith.constant 16 : i32
    %iota3A = tpu.iota {dimensions = array<i32: 0>} : vector<16xi32>
    %scan3A_21 = arith.constant 0 : i32
    %scan3A_22 = arith.constant 16 : i32
    %scan3A_23 = arith.addi %scan3A_21, %scan3A_22 : i32
    %scan3A_24 = arith.constant 1 : i32
    scf.for %scan3A_26 = %scan3A_21 to %scan3A_23 step %scan3A_24  : i32 {
      %mul3A_27 = arith.constant 1 : i32
      %mul3A_28 = arith.muli %scan3A_26, %mul3A_27 : i32
      %add3A_29 = arith.constant 0 : i32
      %add3A_30 = arith.addi %add3A_29, %mul3A_28 : i32
      %scan3A_31 = arith.constant 0 : i32
      %scan3A_32 = arith.constant 256 : i32
      %scan3A_33 = arith.addi %scan3A_31, %scan3A_32 : i32
      %scan3A_34 = arith.constant 1 : i32
      scf.for %scan3A_38 = %scan3A_31 to %scan3A_33 step %scan3A_34  : i32 {
        %mul3A_39 = arith.constant 16 : i32
        %mul3A_40 = arith.muli %scan3A_38, %mul3A_39 : i32
        %add3A_41 = arith.constant 0 : i32
        %add3A_42 = arith.addi %add3A_41, %mul3A_40 : i32
        %mul3A_43 = arith.constant 4113 : i32
        %mul3A_44 = arith.muli %add3A_30, %mul3A_43 : i32
        %add3A_45 = arith.addi %mul3A_44, %add3A_42 : i32
        %add3A_46 = vector.broadcast %add3A_45 : i32 to vector<16xi32>
        %add3A_47 = arith.addi %add3A_46, %iota3A : vector<16xi32>
        %gather3A = tpu.vector_load_idx %arg6[%add3A_47] : memref<65808xf32, #tpu.memory_space<vmem>>[vector<16xi32>], vector<16xf32>,
        %swap3A = arith.index_cast %add3A_42 : i32 to index
        %swap3A_48 = tpu.vector_load %arg4[%swap3A] {strides = array<i32>} : memref<16384xf32, #tpu.memory_space<vmem>>, vector<16xf32>,
        tpu.vector_store %arg4[%swap3A], %gather3A {strides = array<i32>} : memref<16384xf32, #tpu.memory_space<vmem>>, vector<16xf32>,
      }
      %scan3A_35 = arith.constant 256 : i32
      %mul3A_36 = arith.constant 4096 : i32
      %mul3A_37 = arith.muli %add3A_30, %mul3A_36 : i32
      "tpu.region"() ({
        %run_scoped3A = tpu.sem_alloc : memref<!tpu.dma_semaphore, #tpu.memory_space<semaphore_mem>>
        %dma_start3A_38 = arith.constant 0 : i32
        %dma_start3A_39 = tpu.memref_slice %arg4[%dma_start3A_38] : memref<16384xf32, #tpu.memory_space<vmem>> -> memref<4096xf32, #tpu.memory_space<vmem>>
        %dma_start3A_40 = tpu.memref_slice %arg3[%add3A, %mul3A_37] : memref<32x65536xf32, #tpu.memory_space<hbm>> -> memref<1x4096xf32, #tpu.memory_space<hbm>>
        %dma_start3A_41 = tpu.memref_squeeze %dma_start3A_40 : memref<1x4096xf32, #tpu.memory_space<hbm>> -> memref<4096xf32, #tpu.memory_space<hbm>>
        %dma_start3A_42 = tpu.memref_slice %arg3[%add3A, %mul3A_37] : memref<32x65536xf32, #tpu.memory_space<hbm>> -> memref<1x4096xf32, #tpu.memory_space<hbm>>
        %dma_start3A_43 = tpu.memref_squeeze %dma_start3A_42 : memref<1x4096xf32, #tpu.memory_space<hbm>> -> memref<4096xf32, #tpu.memory_space<hbm>>
        %dma_start3A_44 = arith.constant 0 : i32
        %dma_start3A_45 = tpu.memref_slice %arg4[%dma_start3A_44] : memref<16384xf32, #tpu.memory_space<vmem>> -> memref<4096xf32, #tpu.memory_space<vmem>>
        tpu.enqueue_dma source(%dma_start3A_45 : memref<4096xf32, #tpu.memory_space<vmem>>) target(%dma_start3A_43 : memref<4096xf32, #tpu.memory_space<hbm>>) target_semaphore(%run_scoped3A : memref<!tpu.dma_semaphore, #tpu.memory_space<semaphore_mem>>)
        %dma_wait3A = arith.constant 0 : i32
        %dma_wait3A_46 = tpu.memref_slice %arg4[%dma_wait3A] : memref<16384xf32, #tpu.memory_space<vmem>> -> memref<4096xf32, #tpu.memory_space<vmem>>
        %dma_wait3A_47 = tpu.memref_slice %arg3[%add3A, %mul3A_37] : memref<32x65536xf32, #tpu.memory_space<hbm>> -> memref<1x4096xf32, #tpu.memory_space<hbm>>
        %dma_wait3A_48 = tpu.memref_squeeze %dma_wait3A_47 : memref<1x4096xf32, #tpu.memory_space<hbm>> -> memref<4096xf32, #tpu.memory_space<hbm>>
        %dma_wait3A_49 = tpu.memref_slice %arg3[%add3A, %mul3A_37] : memref<32x65536xf32, #tpu.memory_space<hbm>> -> memref<1x4096xf32, #tpu.memory_space<hbm>>
        %dma_wait3A_50 = tpu.memref_squeeze %dma_wait3A_49 : memref<1x4096xf32, #tpu.memory_space<hbm>> -> memref<4096xf32, #tpu.memory_space<hbm>>
        %dma_wait3A_51 = arith.constant 0 : i32
        %dma_wait3A_52 = tpu.memref_slice %arg4[%dma_wait3A_51] : memref<16384xf32, #tpu.memory_space<vmem>> -> memref<4096xf32, #tpu.memory_space<vmem>>
        tpu.wait_dma2 semaphore(%run_scoped3A : memref<!tpu.dma_semaphore, #tpu.memory_space<semaphore_mem>>) src(%dma_wait3A_52 : memref<4096xf32, #tpu.memory_space<vmem>>) dst(%dma_wait3A_50 : memref<4096xf32, #tpu.memory_space<hbm>>)
        tpu.yield
      }) : () -> ()
    }
    %scan3A_25 = arith.constant 16 : i32
    return
  }
}

module attributes {stable_mosaic.version = 14 : i64} {
  func.func @_mlp_body(%arg0: i32, %arg1: memref<3x4096xf32, #tpu.memory_space<vmem>>, %arg2: memref<3x256xbf16, #tpu.memory_space<vmem>>, %arg3: memref<1x256xf32, #tpu.memory_space<vmem>>, %arg4: memref<1024x128xbf16, #tpu.memory_space<vmem>>, %arg5: memref<8x128xbf16, #tpu.memory_space<vmem>>, %arg6: memref<1x128xf32, #tpu.memory_space<vmem>>, %arg7: memref<1024x128xf32, #tpu.memory_space<vmem>>) attributes {dimension_semantics = [#tpu.dimension_semantics<arbitrary>], iteration_bounds = array<i64: 128>, scalar_prefetch = 0 : i64, scratch_operands = 0 : i64, tpu.core_type = #tpu.core_type<tc>, window_params = [{transform_indices = @transform_0, window_bounds = array<i64: 3, 4096>}, {pipeline_mode = #tpu.pipeline_mode<synchronous>, transform_indices = @transform_1, window_bounds = array<i64: 3, 256>}, {pipeline_mode = #tpu.pipeline_mode<synchronous>, transform_indices = @transform_2, window_bounds = array<i64: 1, 256>}, {pipeline_mode = #tpu.pipeline_mode<synchronous>, transform_indices = @transform_3, window_bounds = array<i64: 1024, 128>}, {pipeline_mode = #tpu.pipeline_mode<synchronous>, transform_indices = @transform_4, window_bounds = array<i64: 8, 128>}, {pipeline_mode = #tpu.pipeline_mode<synchronous>, transform_indices = @transform_5, window_bounds = array<i64: 1, 128>}, {transform_indices = @transform_6, window_bounds = array<i64: 1024, 128>}]} {
    %get3A = arith.constant 0 : index
    %get3A_0 = arith.constant 0 : index
    %get3A_1 = vector.load %arg1[%get3A, %get3A_0] : memref<3x4096xf32, #tpu.memory_space<vmem>>, vector<3x4096xf32>
    %convert_element_type3A = arith.truncf %get3A_1 : vector<3x4096xf32> to vector<3x4096xbf16>
    %get3A_2 = arith.constant 0 : index
    %get3A_3 = arith.constant 0 : index
    %get3A_4 = vector.load %arg2[%get3A_2, %get3A_3] : memref<3x256xbf16, #tpu.memory_space<vmem>>, vector<3x256xbf16>
    %dot_general3A = arith.constant dense<0.000000e+00> : vector<4096x256xf32>
    %dot_general3A_5 = tpu.matmul %convert_element_type3A, %get3A_4, %dot_general3A {dimension_numbers = #tpu.dot_dimension_numbers<[0], [0], [1], [1], [0, 1, 1, 1], [], []>, transpose_lhs_hint = false} : vector<3x4096xbf16>, vector<3x256xbf16>, vector<4096x256xf32> -> vector<4096x256xf32>
    %get3A_6 = arith.constant 0 : index
    %get3A_7 = arith.constant 0 : index
    %get3A_8 = vector.load %arg3[%get3A_6, %get3A_7] : memref<1x256xf32, #tpu.memory_space<vmem>>, vector<1x256xf32>
    %add3A = vector.broadcast %get3A_8 : vector<1x256xf32> to vector<4096x256xf32>
    %add3A_9 = arith.addf %dot_general3A_5, %add3A : vector<4096x256xf32>
    %max3A = arith.constant 0.000000e+00 : f32
    %max3A_10 = vector.broadcast %max3A : f32 to vector<4096x256xf32>
    %max3A_11 = arith.maximumf %add3A_9, %max3A_10 : vector<4096x256xf32>
    %convert_element_type3A_12 = arith.truncf %max3A_11 : vector<4096x256xf32> to vector<4096x256xbf16>
    %mul3A = arith.constant 1.600000e+01 : f32
    %mul3A_13 = vector.broadcast %mul3A : f32 to vector<3x4096xf32>
    %mul3A_14 = arith.mulf %get3A_1, %mul3A_13 : vector<3x4096xf32>
    %floor3A = math.floor %mul3A_14 : vector<3x4096xf32>
    %convert_element_type3A_15 = arith.fptosi %floor3A : vector<3x4096xf32> to vector<3x4096xi32>
    %jit3A = arith.constant 0 : i32
    %jit3A_16 = arith.constant 15 : i32
    %max3A_17 = vector.broadcast %jit3A : i32 to vector<3x4096xi32>
    %max3A_18 = arith.maxsi %max3A_17, %convert_element_type3A_15 : vector<3x4096xi32>
    %min3A = vector.broadcast %jit3A_16 : i32 to vector<3x4096xi32>
    %min3A_19 = arith.minsi %min3A, %max3A_18 : vector<3x4096xi32>
    %slice3A = vector.extract_strided_slice %min3A_19 {offsets = [0, 0], sizes = [1, 4096], strides = [1, 1]} : vector<3x4096xi32> to vector<1x4096xi32>
    %mul3A_20 = arith.constant 16 : i32
    %mul3A_21 = vector.broadcast %mul3A_20 : i32 to vector<1x4096xi32>
    %mul3A_22 = arith.muli %slice3A, %mul3A_21 : vector<1x4096xi32>
    %slice3A_23 = vector.extract_strided_slice %min3A_19 {offsets = [1, 0], sizes = [1, 4096], strides = [1, 1]} : vector<3x4096xi32> to vector<1x4096xi32>
    %add3A_24 = arith.addi %mul3A_22, %slice3A_23 : vector<1x4096xi32>
    %convert_element_type3A_25 = arith.sitofp %add3A_24 : vector<1x4096xi32> to vector<1x4096xbf16>
    %slice3A_26 = vector.extract_strided_slice %min3A_19 {offsets = [2, 0], sizes = [1, 4096], strides = [1, 1]} : vector<3x4096xi32> to vector<1x4096xi32>
    %convert_element_type3A_27 = arith.sitofp %slice3A_26 : vector<1x4096xi32> to vector<1x4096xbf16>
    %concatenate3A = tpu.concatenate %convert_element_type3A_25, %convert_element_type3A_27 in 0 : vector<1x4096xbf16>, vector<1x4096xbf16> -> vector<2x4096xbf16>
    %get3A_28 = arith.constant 0 : index
    %get3A_29 = arith.constant 0 : index
    %get3A_30 = vector.load %arg6[%get3A_28, %get3A_29] : memref<1x128xf32, #tpu.memory_space<vmem>>, vector<1x128xf32>
    %slice3A_31 = vector.extract_strided_slice %convert_element_type3A_12 {offsets = [0, 0], sizes = [1024, 256], strides = [1, 1]} : vector<4096x256xbf16> to vector<1024x256xbf16>
    %get3A_32 = arith.constant 0 : index
    %get3A_33 = arith.constant 0 : index
    %get3A_34 = vector.load %arg4[%get3A_32, %get3A_33] : memref<1024x128xbf16, #tpu.memory_space<vmem>>, vector<256x128xbf16>
    %dot_general3A_35 = arith.constant dense<0.000000e+00> : vector<1024x128xf32>
    %dot_general3A_36 = tpu.matmul %slice3A_31, %get3A_34, %dot_general3A_35 {dimension_numbers = #tpu.dot_dimension_numbers<[1], [0], [0], [1], [0, 0, 1, 1], [], []>, transpose_lhs_hint = false} : vector<1024x256xbf16>, vector<256x128xbf16>, vector<1024x128xf32> -> vector<1024x128xf32>
    %add3A_37 = vector.broadcast %get3A_30 : vector<1x128xf32> to vector<1024x128xf32>
    %add3A_38 = arith.addf %add3A_37, %dot_general3A_36 : vector<1024x128xf32>
    %slice3A_39 = vector.extract_strided_slice %concatenate3A {offsets = [0, 0], sizes = [2, 1024], strides = [1, 1]} : vector<2x4096xbf16> to vector<2x1024xbf16>
    %get3A_40 = arith.constant 0 : index
    %get3A_41 = arith.constant 0 : index
    %get3A_42 = vector.load %arg5[%get3A_40, %get3A_41] : memref<8x128xbf16, #tpu.memory_space<vmem>>, vector<2x128xbf16>
    %dot_general3A_43 = arith.constant dense<0.000000e+00> : vector<1024x128xf32>
    %dot_general3A_44 = tpu.matmul %slice3A_39, %get3A_42, %dot_general3A_43 {dimension_numbers = #tpu.dot_dimension_numbers<[0], [0], [1], [1], [0, 1, 1, 1], [], []>, transpose_lhs_hint = false} : vector<2x1024xbf16>, vector<2x128xbf16>, vector<1024x128xf32> -> vector<1024x128xf32>
    %add3A_45 = arith.addf %add3A_38, %dot_general3A_44 : vector<1024x128xf32>
    %slice3A_46 = vector.extract_strided_slice %convert_element_type3A_12 {offsets = [1024, 0], sizes = [1024, 256], strides = [1, 1]} : vector<4096x256xbf16> to vector<1024x256xbf16>
    %get3A_47 = arith.constant 256 : index
    %get3A_48 = arith.constant 0 : index
    %get3A_49 = vector.load %arg4[%get3A_47, %get3A_48] : memref<1024x128xbf16, #tpu.memory_space<vmem>>, vector<256x128xbf16>
    %dot_general3A_50 = arith.constant dense<0.000000e+00> : vector<1024x128xf32>
    %dot_general3A_51 = tpu.matmul %slice3A_46, %get3A_49, %dot_general3A_50 {dimension_numbers = #tpu.dot_dimension_numbers<[1], [0], [0], [1], [0, 0, 1, 1], [], []>, transpose_lhs_hint = false} : vector<1024x256xbf16>, vector<256x128xbf16>, vector<1024x128xf32> -> vector<1024x128xf32>
    %add3A_52 = arith.addf %add3A_45, %dot_general3A_51 : vector<1024x128xf32>
    %slice3A_53 = vector.extract_strided_slice %concatenate3A {offsets = [0, 1024], sizes = [2, 1024], strides = [1, 1]} : vector<2x4096xbf16> to vector<2x1024xbf16>
    %get3A_54 = arith.constant 2 : index
    %get3A_55 = arith.constant 0 : index
    %get3A_56 = vector.load %arg5[%get3A_54, %get3A_55] : memref<8x128xbf16, #tpu.memory_space<vmem>>, vector<2x128xbf16>
    %dot_general3A_57 = arith.constant dense<0.000000e+00> : vector<1024x128xf32>
    %dot_general3A_58 = tpu.matmul %slice3A_53, %get3A_56, %dot_general3A_57 {dimension_numbers = #tpu.dot_dimension_numbers<[0], [0], [1], [1], [0, 1, 1, 1], [], []>, transpose_lhs_hint = false} : vector<2x1024xbf16>, vector<2x128xbf16>, vector<1024x128xf32> -> vector<1024x128xf32>
    %add3A_59 = arith.addf %add3A_52, %dot_general3A_58 : vector<1024x128xf32>
    %slice3A_60 = vector.extract_strided_slice %convert_element_type3A_12 {offsets = [2048, 0], sizes = [1024, 256], strides = [1, 1]} : vector<4096x256xbf16> to vector<1024x256xbf16>
    %get3A_61 = arith.constant 512 : index
    %get3A_62 = arith.constant 0 : index
    %get3A_63 = vector.load %arg4[%get3A_61, %get3A_62] : memref<1024x128xbf16, #tpu.memory_space<vmem>>, vector<256x128xbf16>
    %dot_general3A_64 = arith.constant dense<0.000000e+00> : vector<1024x128xf32>
    %dot_general3A_65 = tpu.matmul %slice3A_60, %get3A_63, %dot_general3A_64 {dimension_numbers = #tpu.dot_dimension_numbers<[1], [0], [0], [1], [0, 0, 1, 1], [], []>, transpose_lhs_hint = false} : vector<1024x256xbf16>, vector<256x128xbf16>, vector<1024x128xf32> -> vector<1024x128xf32>
    %add3A_66 = arith.addf %add3A_59, %dot_general3A_65 : vector<1024x128xf32>
    %slice3A_67 = vector.extract_strided_slice %concatenate3A {offsets = [0, 2048], sizes = [2, 1024], strides = [1, 1]} : vector<2x4096xbf16> to vector<2x1024xbf16>
    %get3A_68 = arith.constant 4 : index
    %get3A_69 = arith.constant 0 : index
    %get3A_70 = vector.load %arg5[%get3A_68, %get3A_69] : memref<8x128xbf16, #tpu.memory_space<vmem>>, vector<2x128xbf16>
    %dot_general3A_71 = arith.constant dense<0.000000e+00> : vector<1024x128xf32>
    %dot_general3A_72 = tpu.matmul %slice3A_67, %get3A_70, %dot_general3A_71 {dimension_numbers = #tpu.dot_dimension_numbers<[0], [0], [1], [1], [0, 1, 1, 1], [], []>, transpose_lhs_hint = false} : vector<2x1024xbf16>, vector<2x128xbf16>, vector<1024x128xf32> -> vector<1024x128xf32>
    %add3A_73 = arith.addf %add3A_66, %dot_general3A_72 : vector<1024x128xf32>
    %slice3A_74 = vector.extract_strided_slice %convert_element_type3A_12 {offsets = [3072, 0], sizes = [1024, 256], strides = [1, 1]} : vector<4096x256xbf16> to vector<1024x256xbf16>
    %get3A_75 = arith.constant 768 : index
    %get3A_76 = arith.constant 0 : index
    %get3A_77 = vector.load %arg4[%get3A_75, %get3A_76] : memref<1024x128xbf16, #tpu.memory_space<vmem>>, vector<256x128xbf16>
    %dot_general3A_78 = arith.constant dense<0.000000e+00> : vector<1024x128xf32>
    %dot_general3A_79 = tpu.matmul %slice3A_74, %get3A_77, %dot_general3A_78 {dimension_numbers = #tpu.dot_dimension_numbers<[1], [0], [0], [1], [0, 0, 1, 1], [], []>, transpose_lhs_hint = false} : vector<1024x256xbf16>, vector<256x128xbf16>, vector<1024x128xf32> -> vector<1024x128xf32>
    %add3A_80 = arith.addf %add3A_73, %dot_general3A_79 : vector<1024x128xf32>
    %slice3A_81 = vector.extract_strided_slice %concatenate3A {offsets = [0, 3072], sizes = [2, 1024], strides = [1, 1]} : vector<2x4096xbf16> to vector<2x1024xbf16>
    %get3A_82 = arith.constant 6 : index
    %get3A_83 = arith.constant 0 : index
    %get3A_84 = vector.load %arg5[%get3A_82, %get3A_83] : memref<8x128xbf16, #tpu.memory_space<vmem>>, vector<2x128xbf16>
    %dot_general3A_85 = arith.constant dense<0.000000e+00> : vector<1024x128xf32>
    %dot_general3A_86 = tpu.matmul %slice3A_81, %get3A_84, %dot_general3A_85 {dimension_numbers = #tpu.dot_dimension_numbers<[0], [0], [1], [1], [0, 1, 1, 1], [], []>, transpose_lhs_hint = false} : vector<2x1024xbf16>, vector<2x128xbf16>, vector<1024x128xf32> -> vector<1024x128xf32>
    %add3A_87 = arith.addf %add3A_80, %dot_general3A_86 : vector<1024x128xf32>
    %convert_element_type3A_88 = arith.fptosi %add3A_87 : vector<1024x128xf32> to vector<1024x128xi32>
    %bitcast_convert_type3A = tpu.bitcast %convert_element_type3A_88 : vector<1024x128xi32> -> vector<1024x128xf32>
    %iota3A = tpu.iota {dimensions = array<i32: 1>} : vector<1024x128xi32>
    %jit3A_89 = arith.constant 16 : i32
    %div3A = vector.broadcast %jit3A_89 : i32 to vector<1024x128xi32>
    %div3A_90 = arith.divsi %iota3A, %div3A : vector<1024x128xi32>
    %sign3A = arith.constant 0 : i32
    %sign3A_91 = vector.broadcast %sign3A : i32 to vector<1024x128xi32>
    %sign3A_92 = arith.cmpi sgt, %iota3A, %sign3A_91 : vector<1024x128xi32>
    %sign3A_93 = arith.extui %sign3A_92 : vector<1024x128xi1> to vector<1024x128xi32>
    %sign3A_94 = arith.constant 0 : i32
    %sign3A_95 = vector.broadcast %sign3A_94 : i32 to vector<1024x128xi32>
    %sign3A_96 = arith.cmpi slt, %iota3A, %sign3A_95 : vector<1024x128xi32>
    %sign3A_97 = arith.extui %sign3A_96 : vector<1024x128xi1> to vector<1024x128xi32>
    %sign3A_98 = arith.subi %sign3A_93, %sign3A_97 : vector<1024x128xi32>
    %sign3A_99 = arith.constant 0 : i32
    %sign3A_100 = arith.cmpi sgt, %jit3A_89, %sign3A_99 : i32
    %sign3A_101 = arith.extui %sign3A_100 : i1 to i32
    %sign3A_102 = arith.constant 0 : i32
    %sign3A_103 = arith.cmpi slt, %jit3A_89, %sign3A_102 : i32
    %sign3A_104 = arith.extui %sign3A_103 : i1 to i32
    %sign3A_105 = arith.subi %sign3A_101, %sign3A_104 : i32
    %ne3A = vector.broadcast %sign3A_105 : i32 to vector<1024x128xi32>
    %ne3A_106 = arith.cmpi ne, %sign3A_98, %ne3A : vector<1024x128xi32>
    %rem3A = vector.broadcast %jit3A_89 : i32 to vector<1024x128xi32>
    %rem3A_107 = arith.remsi %iota3A, %rem3A : vector<1024x128xi32>
    %ne3A_108 = arith.constant 0 : i32
    %ne3A_109 = vector.broadcast %ne3A_108 : i32 to vector<1024x128xi32>
    %ne3A_110 = arith.cmpi ne, %rem3A_107, %ne3A_109 : vector<1024x128xi32>
    %and3A = arith.andi %ne3A_106, %ne3A_110 : vector<1024x128xi1>
    %sub3A = arith.constant 1 : i32
    %sub3A_111 = vector.broadcast %sub3A : i32 to vector<1024x128xi32>
    %sub3A_112 = arith.subi %div3A_90, %sub3A_111 : vector<1024x128xi32>
    %select_n3A = arith.select %and3A, %sub3A_112, %div3A_90 : vector<1024x128xi1>, vector<1024x128xi32>
    %jit3A_113 = arith.constant 2 : i32
    %eq3A = arith.constant 0 : i32
    %eq3A_114 = arith.cmpi eq, %jit3A_113, %eq3A : i32
    %jit3A_115 = arith.constant 1 : i32
    %select_n3A_116 = arith.select %eq3A_114, %jit3A_115, %jit3A_113 : i32
    %rem3A_117 = vector.broadcast %select_n3A_116 : i32 to vector<1024x128xi32>
    %rem3A_118 = arith.remsi %select_n3A, %rem3A_117 : vector<1024x128xi32>
    %ne3A_119 = arith.constant 0 : i32
    %ne3A_120 = vector.broadcast %ne3A_119 : i32 to vector<1024x128xi32>
    %ne3A_121 = arith.cmpi ne, %rem3A_118, %ne3A_120 : vector<1024x128xi32>
    %lt3A = arith.constant 0 : i32
    %lt3A_122 = vector.broadcast %lt3A : i32 to vector<1024x128xi32>
    %lt3A_123 = arith.cmpi slt, %rem3A_118, %lt3A_122 : vector<1024x128xi32>
    %lt3A_124 = arith.constant 0 : i32
    %lt3A_125 = arith.cmpi slt, %select_n3A_116, %lt3A_124 : i32
    %ne3A_126 = vector.broadcast %lt3A_125 : i1 to vector<1024x128xi1>
    %ne3A_127 = vector.broadcast %ne3A_126 : vector<1024x128xi1> to vector<1024x128xi1>
    %ne3A_128 = arith.xori %lt3A_123, %ne3A_127 : vector<1024x128xi1>
    %and3A_129 = arith.andi %ne3A_128, %ne3A_121 : vector<1024x128xi1>
    %add3A_130 = vector.broadcast %select_n3A_116 : i32 to vector<1024x128xi32>
    %add3A_131 = arith.addi %rem3A_118, %add3A_130 : vector<1024x128xi32>
    %select_n3A_132 = arith.select %and3A_129, %add3A_131, %rem3A_118 : vector<1024x128xi1>, vector<1024x128xi32>
    %eq3A_133 = arith.constant 0 : i32
    %eq3A_134 = vector.broadcast %eq3A_133 : i32 to vector<1024x128xi32>
    %eq3A_135 = arith.cmpi eq, %select_n3A_132, %eq3A_134 : vector<1024x128xi32>
    %select_n3A_136 = arith.select %eq3A_135, %add3A_87, %bitcast_convert_type3A : vector<1024x128xi1>, vector<1024x128xf32>
    %swap3A = arith.constant 0 : index
    %swap3A_137 = arith.constant 0 : index
    %swap3A_138 = vector.load %arg7[%swap3A, %swap3A_137] : memref<1024x128xf32, #tpu.memory_space<vmem>>, vector<1024x128xf32>
    tpu.vector_store %arg7[%swap3A, %swap3A_137], %select_n3A_136 {strides = array<i32>} : memref<1024x128xf32, #tpu.memory_space<vmem>>, vector<1024x128xf32>,
    return
  }
  func.func @transform_0(%arg0: i32) -> (i32, i32) {
    %c0_i32 = arith.constant 0 : i32
    %c0_i32_0 = arith.constant 0 : i32
    return %c0_i32, %arg0 : i32, i32
  }
  func.func @transform_1(%arg0: i32) -> (i32, i32) {
    %c0_i32 = arith.constant 0 : i32
    %c0_i32_0 = arith.constant 0 : i32
    %c0_i32_1 = arith.constant 0 : i32
    return %c0_i32, %c0_i32_0 : i32, i32
  }
  func.func @transform_2(%arg0: i32) -> (i32, i32) {
    %c0_i32 = arith.constant 0 : i32
    %c0_i32_0 = arith.constant 0 : i32
    %c0_i32_1 = arith.constant 0 : i32
    return %c0_i32, %c0_i32_0 : i32, i32
  }
  func.func @transform_3(%arg0: i32) -> (i32, i32) {
    %c0_i32 = arith.constant 0 : i32
    %c0_i32_0 = arith.constant 0 : i32
    %c0_i32_1 = arith.constant 0 : i32
    return %c0_i32, %c0_i32_0 : i32, i32
  }
  func.func @transform_4(%arg0: i32) -> (i32, i32) {
    %c0_i32 = arith.constant 0 : i32
    %c0_i32_0 = arith.constant 0 : i32
    %c0_i32_1 = arith.constant 0 : i32
    return %c0_i32, %c0_i32_0 : i32, i32
  }
  func.func @transform_5(%arg0: i32) -> (i32, i32) {
    %c0_i32 = arith.constant 0 : i32
    %c0_i32_0 = arith.constant 0 : i32
    %c0_i32_1 = arith.constant 0 : i32
    return %c0_i32, %c0_i32_0 : i32, i32
  }
  func.func @transform_6(%arg0: i32) -> (i32, i32) {
    %c0_i32 = arith.constant 0 : i32
    %c0_i32_0 = arith.constant 0 : i32
    return %arg0, %c0_i32 : i32, i32
  }
}

module attributes {stable_mosaic.version = 14 : i64} {
  func.func @_merge_body(%arg0: i32, %arg1: memref<1x2x512x128xf32, #tpu.memory_space<vmem>>, %arg2: memref<1x512x128xf32, #tpu.memory_space<vmem>>) attributes {dimension_semantics = [#tpu.dimension_semantics<arbitrary>], iteration_bounds = array<i64: 16>, scalar_prefetch = 0 : i64, scratch_operands = 0 : i64, tpu.core_type = #tpu.core_type<tc>, window_params = [{transform_indices = @transform_0, window_bounds = array<i64: 1, 2, 512, 128>}, {transform_indices = @transform_1, window_bounds = array<i64: 1, 512, 128>}]} {
    %get3A = arith.constant 0 : index
    %get3A_0 = arith.constant 0 : index
    %get3A_1 = arith.constant 0 : index
    %get3A_2 = arith.constant 0 : index
    %get3A_3 = vector.load %arg1[%get3A, %get3A_0, %get3A_1, %get3A_2] : memref<1x2x512x128xf32, #tpu.memory_space<vmem>>, vector<1x1x512x128xf32>
    %get3A_4 = vector.shape_cast %get3A_3 : vector<1x1x512x128xf32> to vector<512x128xf32>
    %get3A_5 = arith.constant 0 : index
    %get3A_6 = arith.constant 1 : index
    %get3A_7 = arith.constant 0 : index
    %get3A_8 = arith.constant 0 : index
    %get3A_9 = vector.load %arg1[%get3A_5, %get3A_6, %get3A_7, %get3A_8] : memref<1x2x512x128xf32, #tpu.memory_space<vmem>>, vector<1x1x512x128xf32>
    %get3A_10 = vector.shape_cast %get3A_9 : vector<1x1x512x128xf32> to vector<512x128xf32>
    %max3A = arith.maximumf %get3A_4, %get3A_10 : vector<512x128xf32>
    %gt3A = arith.constant -9.99999968E+37 : f32
    %gt3A_11 = vector.broadcast %gt3A : f32 to vector<512x128xf32>
    %gt3A_12 = arith.cmpf ogt, %max3A, %gt3A_11 : vector<512x128xf32>
    %jit3A = arith.constant 0.000000e+00 : f32
    %broadcast_in_dim3A = vector.broadcast %jit3A : f32 to vector<512x128xf32>
    %select_n3A = arith.select %gt3A_12, %max3A, %broadcast_in_dim3A : vector<512x128xi1>, vector<512x128xf32>
    %swap3A = arith.constant 0 : index
    %swap3A_13 = arith.constant 0 : index
    %swap3A_14 = arith.constant 0 : index
    %swap3A_15 = vector.load %arg2[%swap3A, %swap3A_13, %swap3A_14] : memref<1x512x128xf32, #tpu.memory_space<vmem>>, vector<1x512x128xf32>
    %swap3A_16 = vector.shape_cast %swap3A_15 : vector<1x512x128xf32> to vector<512x128xf32>
    %swap3A_17 = vector.shape_cast %select_n3A : vector<512x128xf32> to vector<1x512x128xf32>
    tpu.vector_store %arg2[%swap3A, %swap3A_13, %swap3A_14], %swap3A_17 {strides = array<i32>} : memref<1x512x128xf32, #tpu.memory_space<vmem>>, vector<1x512x128xf32>,
    return
  }
  func.func @transform_0(%arg0: i32) -> (i32, i32, i32, i32) {
    %c0_i32 = arith.constant 0 : i32
    %c0_i32_0 = arith.constant 0 : i32
    %c0_i32_1 = arith.constant 0 : i32
    %c0_i32_2 = arith.constant 0 : i32
    return %arg0, %c0_i32, %c0_i32_0, %c0_i32_1 : i32, i32, i32, i32
  }
  func.func @transform_1(%arg0: i32) -> (i32, i32, i32) {
    %c0_i32 = arith.constant 0 : i32
    %c0_i32_0 = arith.constant 0 : i32
    %c0_i32_1 = arith.constant 0 : i32
    return %arg0, %c0_i32, %c0_i32_0 : i32, i32, i32
  }
}

</mosaic_0001>

<sc_bundles>
// kernel: kernel.5.cloned.1.call-start
scs
__scs_entry_jumppad:
0x0: {  	(pc) =	sbr.rel $0x88, $3  }
0x1: {  	(tag) =	ssettag $0x0;
	lr =	simm.s32 $0x1  }
0x2: {  	[smem:$0x3F9C] =	sst lr;
	_ =	strace $0xD0000000  }
0x3: {  	_ = 	snop  }
0x4: {  	_ = 	snop  }
0x5: {  	_ = 	snop  }
0x6: {  	_ = 	snop  }
0x7: {  	_ = 	snop  }
__scs_overlays_trampoline_lowered:
0x8: {  	[smem:$0x3FAB] =	sst s0  }
0x9: {  	[smem:$0x3FAC] =	sst s1  }
0xa: {  	[smem:$0x3FAD] =	sst s2  }
0xb: {  	[smem:$0x3FAE] =	sst s3  }
0xc: {  	[smem:$0x3FAF] =	sst s4  }
0xd: {  	[smem:$0x3FB0] =	sst s5  }
0xe: {  	[smem:$0x3FB1] =	sst s6  }
0xf: {  	[smem:$0x3FB2] =	sst s7  }
0x10: {  	[smem:$0x3FB3] =	sst s8  }
0x11: {  	[smem:$0x3FB4] =	sst s9;
	s0 =	simm.s32 @!p0 $0x0  }
0x12: {  	s1 =	sld [smem:$0x3F9A];
	s0 =	simm.s32 @p0 $0x1  }
0x13: {  	[smem:$0x3FB5] =	sst s0;
	s0 =	simm.s32 @!p1 $0x0  }
0x14: {  	s2 =	sld [smem:$0x3F99];
	s0 =	simm.s32 @p1 $0x1  }
0x15: {  	[smem:$0x3FB6] =	sst s0;
	s0 =	simm.s32 @!p2 $0x0  }
0x16: {  	s3 =	sld [smem:$0x3FDB];
	s0 =	simm.s32 @p2 $0x1  }
0x17: {  	s4 =	simm.s32 $0x1BF5;
	[smem:$0x3FB8] =	sst s0  }
0x18: {  	s0 =	sld [smem:$0x3F9B];
	_ =	swait.ge [sflag:s4], $0x0  }
0x19: {  	s7 =	sld [smem:$0x3F9C]  }
0x1a: {  	s8 =	sadd.s32 $0xFFFFE003, lr  }
0x1b: {  	s9 =	sadd.s32 $0xFFFFFEF7, lr;
	s5 =	simm.s32 $0xFFFFFFFF;
	p2 =	slt.u32 s8, $0xFFFFF086  }
0x1c: {  	p1 =	slt.u32 s9, $0xF7A;
	s5 =	simm.s32 @!p2 $0x0  }
0x1d: {  	s5 =	simm.s32 @p1 $0x1;
	p0 =	seq.s32 s7, s2  }
0x1e: {  	s7 =	smul.u32 @!p0 $0xF7A, s2;
	p2 =	seq.s32 @!p0 s5, $0x0  }
0x1f: {  	s9 =	smul.u32 $0xF7A, s1;
	s8 =	simm.s32 @!p0 $0x1BF5;
	p2 =	por !p2, p0  }
0x20: {  	[sflag:s8] =	ssyncset.s32 @!p0 $0xFFFFF086;
	s6 =	sadd.s32 @!p0 s3, s7;
	s7 =	simm.s32 @!p0 $0x108  }
0x21: {  	s3 =	sadd.s32 s3, s9;
	s6 =	sadd.s32 @!p0 $0x88, s6;
	s7 =	simm.s32 @p2 $0x1082  }
0x22: {  	[simem:s7], [sflag:s8] =	dma.local @!p0 [hbm:s6], $0xF7A  }
0x23: {  	s9 =	sor.u32 $0xD0000000, s2;
	s6 =	simm.s32 $0x108;
	_ =	swait.ge @!p0 [sflag:s8], $0x0  }
0x24: {  	s3 =	sadd.s32 $0x88, s3;
	s6 =	simm.s32 @!p1 $0x1082;
	[sflag:s4] =	ssyncset.s32 $0xFFFFF086  }
0x25: {  	[simem:s6], [sflag:s4] =	dma.local [hbm:s3], $0xF7A  }
0x26: {  	[smem:$0x3F9C] =	sst s1;
	(tag) =	ssettag s2;
	_ =	strace s9  }
0x27: {  	s1 =	sld [smem:$0x3FAC]  }
0x28: {  	s2 =	sld [smem:$0x3FAD]  }
0x29: {  	s4 =	sld [smem:$0x3FAF]  }
0x2a: {  	p0 =	seq.s32 s5, $0x0;
	s5 =	sld [smem:$0x3FB0]  }
0x2b: {  	s6 =	sld [smem:$0x3FB1]  }
0x2c: {  	s7 =	sld [smem:$0x3FB2]  }
0x2d: {  	s3 =	simm.s32 $0x108;
	s8 =	sld [smem:$0x3FB3]  }
0x2e: {  	s3 =	simm.s32 @!p0 $0x1082;
	s9 =	sld [smem:$0x3FB4]  }
0x2f: {  	lr =	sadd.s32 s0, s3;
	s0 =	sld [smem:$0x3FAB]  }
0x30: {  	s3 =	sld [smem:$0x3FAE]  }
0x31: {  	[smem:$0x3FB7] =	sst s10  }
0x32: {  	s10 =	sld [smem:$0x3FB5];
	_ =	sdelay $0x3  }
0x33: {  	p0 =	seq.s32 s10, $0x1;
	s10 =	sld [smem:$0x3FB7];
	_ =	sdelay $0x3  }
0x34: {  	[smem:$0x3FB7] =	sst s10  }
0x35: {  	s10 =	sld [smem:$0x3FB6];
	_ =	sdelay $0x3  }
0x36: {  	p1 =	seq.s32 s10, $0x1;
	s10 =	sld [smem:$0x3FB7];
	_ =	sdelay $0x3  }
0x37: {  	[smem:$0x3FB7] =	sst s10  }
0x38: {  	s10 =	sld [smem:$0x3FB8]  }
0x39: {  	_ = 	snop;
	(pc) =	sbr.ind lr, $3  }
0x3a: {  	_ = 	snop  }
0x3b: {  	_ = 	snop  }
0x3c: {  	p2 =	seq.s32 s10, $0x1;
	s10 =	sld [smem:$0x3FB7]  }
0x3d: {  	_ =	shalt  }
0x3e: {  	_ =	shalt  }
0x3f: {  	_ =	shalt  }
0x40: {  	_ =	shalt  }
0x41: {  	_ =	shalt  }
0x42: {  	_ =	shalt  }
0x43: {  	_ =	shalt  }
0x44: {  	_ =	shalt  }
0x45: {  	_ =	shalt  }
0x46: {  	_ =	shalt  }
0x47: {  	_ =	shalt  }
0x48: {  	_ =	shalt  }
0x49: {  	_ =	shalt  }
0x4a: {  	_ =	shalt  }
0x4b: {  	_ =	shalt  }
0x4c: {  	_ =	shalt  }
0x4d: {  	_ =	shalt  }
0x4e: {  	_ =	shalt  }
0x4f: {  	_ =	shalt  }
0x50: {  	_ =	shalt  }
0x51: {  	_ =	shalt  }
0x52: {  	_ =	shalt  }
0x53: {  	_ =	shalt  }
0x54: {  	_ =	shalt  }
0x55: {  	_ =	shalt  }
0x56: {  	_ =	shalt  }
0x57: {  	_ =	shalt  }
0x58: {  	_ =	shalt  }
0x59: {  	_ =	shalt  }
0x5a: {  	_ =	shalt  }
0x5b: {  	_ =	shalt  }
0x5c: {  	_ =	shalt  }
0x5d: {  	_ =	shalt  }
0x5e: {  	_ =	shalt  }
0x5f: {  	_ =	shalt  }
0x60: {  	_ =	shalt  }
0x61: {  	_ =	shalt  }
0x62: {  	_ =	shalt  }
0x63: {  	_ =	shalt  }
0x64: {  	_ =	shalt  }
0x65: {  	_ =	shalt  }
0x66: {  	_ =	shalt  }
0x67: {  	_ =	shalt  }
0x68: {  	_ =	shalt  }
0x69: {  	_ =	shalt  }
0x6a: {  	_ =	shalt  }
0x6b: {  	_ =	shalt  }
0x6c: {  	_ =	shalt  }
0x6d: {  	_ =	shalt  }
0x6e: {  	_ =	shalt  }
0x6f: {  	_ =	shalt  }
0x70: {  	_ =	shalt  }
0x71: {  	_ =	shalt  }
0x72: {  	_ =	shalt  }
0x73: {  	_ =	shalt  }
0x74: {  	_ =	shalt  }
0x75: {  	_ =	shalt  }
0x76: {  	_ =	shalt  }
0x77: {  	_ =	shalt  }
0x78: {  	_ =	shalt  }
0x79: {  	_ =	shalt  }
0x7a: {  	_ =	shalt  }
0x7b: {  	_ =	shalt  }
0x7c: {  	_ =	shalt  }
0x7d: {  	_ =	shalt  }
0x7e: {  	_ =	shalt  }
0x7f: {  	_ =	shalt  }
0x80: {  	_ =	shalt  }
0x81: {  	_ =	shalt  }
0x82: {  	_ =	shalt  }
0x83: {  	_ =	shalt  }
0x84: {  	_ =	shalt  }
0x85: {  	_ =	shalt  }
0x86: {  	_ =	shalt  }
0x87: {  	_ =	shalt  }
.Lfunc_end0:
.L_simem_size_0:
called_computation_lowered:
.L_overlay_start_0:
0x88: {  	s2 =	sld [smem:$0x3FD9]  }
0x89: {  	s3 =	sld [smem:$0x3FFE];
	_ =	sdelay $0x1  }
0x8a: {  	s1 =	srdreg.scid  }
0x8b: {  	s0 =	sand.u32 $0x1, s1  }
0x8c: {  	s17 =	sshll.u32 s0, $0xA;
	s2 =	sadd.s32 s3, s2  }
0x8d: {  	s2 =	sadd.s32 s2, s17  }
0x8e: {  	[smem:$0x3FC3] =	sst s2  }
0x8f: {  	_ = 	snop  }
0x90: {  	s2 =	sld [smem:$0x3FD0];
	(tm) =	ssettm $0x1  }
0x91: {  	s18 =	sld [smem:$0x3FFB];
	_ =	sdelay $0x3  }
0x92: {  	_ =	strace s18  }
0x93: {  	s3 =	sld [smem:$0x3FFC];
	_ =	sdelay $0x3  }
0x94: {  	_ =	strace s3  }
0x95: {  	s3 =	sld [smem:$0x3FFD];
	_ =	sdelay $0x3  }
0x96: {  	_ =	strace s3  }
0x97: {  	_ =	strace $0x8FFFFFFF  }
0x98: {  	s19 =	sld [smem:$0x3FDB];
	_ =	sdelay $0x1  }
0x99: {  	s4 =	simm.s32 $_scs_section_size  }
0x9a: {  	s5 =	simm.s32 $_size__tile_overlayer_lowered;
	s6 =	simm.s32 $_tile_overlayer_lowered  }
0x9b: {  	s22 =	simm.s32 $0x1BFF;
	s21 =	sshll.u32 s6, $0x1;
	s3 =	sadd.s32 s4, s19  }
0x9c: {  	s7 =	simm.s32 $0x0;
	s20 =	sshll.u32 s5, $0x1;
	s5 =	sadd.s32 s21, s3  }
0x9d: {  	[timem:s7], [sflag:s22] =	dma.local [hbm:s5], s20  }
0x9e: {  	_ =	swait.ge [sflag:s22], s20  }
0x9f: {  	s4 =	ssub.s32 $0x0, s20;
	[sflag:s22] =	ssyncset.done $0x0  }
0xa0: {  	[sflag:s22] =	ssyncadd.s32 s4;
	_ =	sdelay $0x1  }
0xa1: {  	s23 =	simm.s32 $0x1B8B  }
0xa2: {  	_ =	swait.ge [sflag:s23], $0x1  }
0xa3: {  	[sflag:s23] =	ssyncset.done $0x0  }
0xa4: {  	s25 =	simm.s32 $0x1B8E;
	s24 =	sld [smem:$0x3FFE];
	[sflag:s23] =	ssyncadd.s32 $0xFFFFFFFF  }
0xa5: {  	s26 =	simm.s32 $execute0_lowered;
	[smem:$0x3FD2] =	sst s25  }
0xa6: {  	s5 =	sshll.u32 s26, $0x1;
	_ =	strace $0x80000046;
	[dreg:$0x1] =	wrdreg $0xFFFFFFFF  }
0xa7: {  	s28 =	simm.s32 $_size_execute0_lowered;
	s3 =	sadd.s32 s3, s5;
	[dreg:$0x0] =	wrdreg $0x0  }
0xa8: {  	s5 =	sshll.u32 s28, $0x1;
	[dreg:$0x2] =	wrdreg s3  }
0xa9: {  	[dreg:$0x3] =	wrdreg s5  }
0xaa: {  	[dreg:$0x4] =	wrdreg $0xC0  }
0xab: {  	_ =	task [dreg:s7], $0x5FFFF  }
0xac: {  	[dreg:$0x1] =	wrdreg $0xFFFFFFFF  }
0xad: {  	[dreg:$0x0] =	wrdreg $0x60  }
0xae: {  	[dreg:$0x2] =	wrdreg s24  }
0xaf: {  	[dreg:$0x3] =	wrdreg s2  }
0xb0: {  	[dreg:$0x4] =	wrdreg $0x9  }
0xb1: {  	_ =	task.clear_ibuf [dreg:s7], $0x5FFFF;
	_ =	strace $0x90000046  }
0xb2: {  	s29 =	simm.s32 $0x9;
	_ =	strace $0x80000048  }
0xb3: {  	_ =	swait.ge [sflag:s29], $0x1  }
0xb4: {  	[sflag:s29] =	ssyncadd.s32 $0xFFFFFFFF  }
0xb5: {  	_ =	strace $0x90000048  }
0xb6: {  	_ =	sfence  }
0xb7: {  	s30 =	sld [smem:$0x0];
	_ =	sdelay $0x2  }
0xb8: {  	s31 =	sshll.u32 s1, $0xD;
	s1 =	sshrl.u32 s1, $0x2  }
0xb9: {  	s3 =	sand.u32 $0x4000, s31;
	s1 =	sadd.s32 s1, s30  }
0xba: {  	s0 =	sor.u32 s3, s0;
	s1 =	sshll.u32 s1, $0x11  }
0xbb: {  	s0 =	sor.u32 s1, s0  }
0xbc: {  	s0 =	sadd.s32 $0x8F2B, s0  }
0xbd: {  	[sflag:s0] =	ssyncadd.remote.s32 $0x1  }
0xbe: {  	_ =	sfence.sel $0xFFFF  }
0xbf: {  	[dreg:$0x0] =	wrdreg $0xFFFFFFFF;
	(pc) =	sbr.abs _section_cstart, $3  }
0xc0: {  	[dreg:$0x1] =	wrdreg $0xFFFFFFFF  }
0xc1: {  	_ =	task.clear_ibuf [dreg:s7], $0x2FFFF;
	_ =	strace $0x9FFFFFFF  }
0xc2: {  	(tm) =	ssettm $0x7FFFFFFF  }
0xc3: {  	_ =	shalt  }
tec
execute0_lowered:
.L_overlay_start_1:
0x0: {  	(tag) =	ssettag $0x1  }
0x1: {  	s3 =	rddreg [dreg:$0x0]  }
0x2: {  	s6 =	rddreg [dreg:$0x1]  }
0x3: {  	s0 =	rddreg [dreg:$0x2]  }
0x4: {  	s1 =	simm.s32 $0x0;
	s2 =	srdreg.scid;
	s11 =	simm.s32 $0x1  }
0x5: {  	s12 =	simm.s32 $0x8000;
	s13 =	simm.s32 $0x2;
	s14 =	simm.s32 $0x80  }
0x6: {  	s15 =	simm.s32 $0x400;
	s16 =	simm.s32 $0x3;
	s17 =	simm.s32 $0x0  }
0x7: {  	[smem:$0x7FF] =	sst s1;
	s4 =	sand.u32 $0x1, s2;
	s2 =	stileid.u32  }
0x8: {  	s3 =	sadd.s32 $0x800, s3;
	_ =	strace $0x80000047;
	s5 =	ssub.s32 $0x2, s4  }
0x9: {  	s4 =	sshll.u32 s4, $0x4;
	s8 =	sshll.u32 s2, $0x4;
	s7 =	sshrl.u32 s5, $0x1  }
0xa: {  	s30 =	sor.u32 s2, s4;
	s8 =	sand.u32 $0x70, s8;
	s9 =	ssub.s32 s5, s7  }
0xb: {  	s31 =	sshll.u32 s30, $0x13;
	s4 =	sshll.u32 s30, $0x10;
	s10 =	sshll.u32 s30, $0xD  }
0xc: {  	s8 =	sadd.s32 s6, s8;
	s4 =	sadd.s32 s3, s4;
	s10 =	sand.u32 $0x30000, s10  }
0xd: {  	s6 =	sor.u32 $0x8000, s31;
	s7 =	sor.u32 $0xC000, s31;
	s9 =	smax.u32 s9, $0x1  }
0xe: {  	v0 =	vimm.f32 $-3.000000010e+38;
	v1 =	vlaneseq.u32;
	s5 =	sadd.s32 $0x800, s4;
	s8 =	sadd.s32 s10, s8;
	s10 =	simm.s32 $0x4000  }
.LBB2_1:
0xf: {  	s18 =	simm.s32 $0x40;
	s19 =	simm.s32 $0x0  }
.LBB2_2:
0x10: {  	p0 =	sne.s32 s18, $0x40400;
	[tilespmem:s19+$0x8000] =	vst v0;
	s19 =	smov.u32 s18;
	s18 =	sadd.s32 $0x40, s18  }
.Ltmp0:
0x11: {  	(pc) =	sbr.rel @p0 .LBB2_2-.Ltmp0, $2  }
0x12: {  	_ =	sdelay $0x2  }
0x13: {  	s19 =	sshra.s32 s19, $0x2  }
0x14: {  	[tilespmem:s19+$0x8000] =	vst v0;
	s18 =	simm.s32 $0x0  }
0x15: {  	[tilespmem:s18], [sflag:$0x1] =	stream.linear.gather [hbm4b:s4+s18], $0x4000, $0x38;
	[tilespmem:$0x18180] =	vst v63  }
0x16: {  	_ = 	snop  }
0x17: {  	[tilespmem:s10], [sflag:$0x2] =	stream.linear.gather [hbm4b:s5+s18], $0x4000, $0x38;
	[tilespmem:$0x18180] =	vst v63  }
.LBB2_4:
0x18: {  	_ =	swait.ge [sflag:s11], $0x4000  }
0x19: {  	[sflag:s11] =	ssyncset.done $0x0  }
0x1a: {  	s19 =	simm.s32 $0xFFFF0000;
	[sflag:s11] =	ssyncadd.s32 $0xFFFFC000  }
.LBB2_5:
0x1b: {  	s20 =	sshra.s32 s19, $0x2  }
0x1c: {  	v2 =	vld [tilespmem:s20+$0x4010];
	_ =	sdelay $0x6  }
0x1d: {  	v3 =	vld [tilespmem:s20+$0x4000]  }
0x1e: {  	v4 =	vld.idx.msk [tilespmem:v2+s12+$0x0], $0xffff;
	_ =	sdelay $0x4  }
0x1f: {  	v3 =	vmax.f32 v4, v3  }
0x20: {  	[tilespmem:v2+s12+$0x0] =	vst.idx.msk $0xffff, v3  }
0x21: {  	v2 =	vld [tilespmem:s20+$0x4030];
	_ =	sdelay $0x6  }
0x22: {  	v3 =	vld [tilespmem:s20+$0x4020]  }
0x23: {  	v61 =	vld.idx.msk [tilespmem:v2+s12+$0x0], $0xffff;
	_ =	sdelay $0x4  }
0x24: {  	v3 =	vmax.f32 v61, v3  }
0x25: {  	[tilespmem:v2+s12+$0x0] =	vst.idx.msk $0xffff, v3  }
0x26: {  	v2 =	vld [tilespmem:s20+$0x4050];
	_ =	sdelay $0x6  }
0x27: {  	v3 =	vld [tilespmem:s20+$0x4040]  }
0x28: {  	v62 =	vld.idx.msk [tilespmem:v2+s12+$0x0], $0xffff;
	_ =	sdelay $0x4  }
0x29: {  	v3 =	vmax.f32 v62, v3  }
0x2a: {  	[tilespmem:v2+s12+$0x0] =	vst.idx.msk $0xffff, v3  }
0x2b: {  	v2 =	vld [tilespmem:s20+$0x4070];
	_ =	sdelay $0x6  }
0x2c: {  	v3 =	vld [tilespmem:s20+$0x4060]  }
0x2d: {  	v63 =	vld.idx.msk [tilespmem:v2+s12+$0x0], $0xffff  }
0x2e: {  	p0 =	sne.s32 s19, $0xFFFFFE00  }
.Ltmp1:
0x2f: {  	_ = 	snop;
	(pc) =	sbr.rel @p0 .LBB2_5-.Ltmp1, $3  }
0x30: {  	_ =	sdelay $0x1  }
0x31: {  	v3 =	vmax.f32 v63, v3  }
0x32: {  	s19 =	sadd.s32 $0x200, s19;
	[tilespmem:v2+s12+$0x0] =	vst.idx.msk $0xffff, v3  }
0x33: {  	s20 =	sshll.u32 s18, $0xF;
	p0 =	seq.s32 s18, $0xF  }
0x34: {  	s19 =	sadd.s32 @!p0 s20, s6  }
0x35: {  	s19 =	sshrl.u32 @!p0 s19, $0x3  }
0x36: {  	s21 =	simm.s32 @!p0 $0x0;
	s19 =	sadd.s32 @!p0 s3, s19  }
0x37: {  	[tilespmem:s21], [sflag:$0x1] =	stream.linear.gather @!p0 [hbm4b:s19+s21], $0x4000, $0x38;
	[tilespmem:$0x18180] =	vst v63  }
0x38: {  	_ =	swait.ge [sflag:s13], $0x4000  }
0x39: {  	[sflag:s13] =	ssyncset.done $0x0  }
0x3a: {  	s19 =	simm.s32 $0xFFFF0000;
	[sflag:s13] =	ssyncadd.s32 $0xFFFFC000  }
.LBB2_7:
0x3b: {  	s21 =	sshra.s32 s19, $0x2  }
0x3c: {  	v2 =	vld [tilespmem:s21+$0x8010];
	_ =	sdelay $0x6  }
0x3d: {  	v3 =	vld [tilespmem:s21+$0x8000]  }
0x3e: {  	v4 =	vld.idx.msk [tilespmem:v2+s12+$0x0], $0xffff;
	_ =	sdelay $0x4  }
0x3f: {  	v3 =	vmax.f32 v4, v3  }
0x40: {  	[tilespmem:v2+s12+$0x0] =	vst.idx.msk $0xffff, v3  }
0x41: {  	v2 =	vld [tilespmem:s21+$0x8030];
	_ =	sdelay $0x6  }
0x42: {  	v3 =	vld [tilespmem:s21+$0x8020]  }
0x43: {  	v61 =	vld.idx.msk [tilespmem:v2+s12+$0x0], $0xffff;
	_ =	sdelay $0x4  }
0x44: {  	v3 =	vmax.f32 v61, v3  }
0x45: {  	[tilespmem:v2+s12+$0x0] =	vst.idx.msk $0xffff, v3  }
0x46: {  	v2 =	vld [tilespmem:s21+$0x8050];
	_ =	sdelay $0x6  }
0x47: {  	v3 =	vld [tilespmem:s21+$0x8040]  }
0x48: {  	v62 =	vld.idx.msk [tilespmem:v2+s12+$0x0], $0xffff;
	_ =	sdelay $0x4  }
0x49: {  	v3 =	vmax.f32 v62, v3  }
0x4a: {  	[tilespmem:v2+s12+$0x0] =	vst.idx.msk $0xffff, v3  }
0x4b: {  	v2 =	vld [tilespmem:s21+$0x8070];
	_ =	sdelay $0x6  }
0x4c: {  	v3 =	vld [tilespmem:s21+$0x8060]  }
0x4d: {  	v63 =	vld.idx.msk [tilespmem:v2+s12+$0x0], $0xffff  }
0x4e: {  	p1 =	sne.s32 s19, $0xFFFFFE00  }
.Ltmp2:
0x4f: {  	_ = 	snop;
	(pc) =	sbr.rel @p1 .LBB2_7-.Ltmp2, $3  }
0x50: {  	_ =	sdelay $0x1  }
0x51: {  	v3 =	vmax.f32 v63, v3  }
0x52: {  	s19 =	sadd.s32 $0x200, s19;
	[tilespmem:v2+s12+$0x0] =	vst.idx.msk $0xffff, v3  }
.Ltmp3:
0x53: {  	(pc) =	sbr.rel @p0 .LBB2_9-.Ltmp3, $2  }
0x54: {  	_ =	sdelay $0x2  }
0x55: {  	s19 =	simm.s32 $0x0  }
.Ltmp4:
0x56: {  	(pc) =	sbr.rel .LBB2_4-.Ltmp4, $4  }
0x57: {  	s19 =	sadd.s32 s20, s7  }
0x58: {  	s19 =	sshrl.u32 s19, $0x3  }
0x59: {  	s18 =	sadd.s32 $0x1, s18;
	s19 =	sadd.s32 s3, s19  }
0x5a: {  	[tilespmem:s10], [sflag:$0x2] =	stream.linear.gather [hbm4b:s19+s1], $0x4000, $0x38;
	[tilespmem:$0x18180] =	vst v63  }
.LBB2_9:
0x5b: {  	s18 =	simm.s32 $0x0  }
.LBB2_10:
0x5c: {  	v2 =	vadd.s32 s19, v1;
	_ =	sdelay $0x4  }
0x5d: {  	s21 =	sadd.s32 $0x10, s19;
	v2 =	vld.idx.msk [tilespmem:v2+s12+$0x0], $0xffff  }
0x5e: {  	s20 =	simm.s32 $0x40;
	s22 =	simm.s32 $0x80;
	s23 =	simm.s32 $0x0;
	v3 =	vadd.s32 s21, v1  }
.LBB2_11:
0x5f: {  	p0 =	sne.s32 s22, $0x3FC0;
	_ =	sdelay $0x1  }
.Ltmp5:
0x60: {  	s24 =	sshra.s32 s23, $0x2;
	s23 =	smov.u32 s20;
	(pc) =	sbr.rel @p0 .LBB2_11-.Ltmp5, $4  }
0x61: {  	s20 =	smov.u32 s22;
	[tilespmem:s24+$0x0] =	vst v2  }
0x62: {  	v2 =	vld.idx.msk [tilespmem:v3+s12+$0x0], $0xffff  }
0x63: {  	s21 =	sadd.s32 $0x10, s21  }
0x64: {  	s22 =	sadd.s32 $0x40, s22;
	v3 =	vadd.s32 s21, v1  }
0x65: {  	_ =	sdelay $0x1  }
0x66: {  	s21 =	sshra.s32 s23, $0x2  }
0x67: {  	[tilespmem:s21+$0x0] =	vst v2  }
0x68: {  	v2 =	vld.idx.msk [tilespmem:v3+s12+$0x0], $0xffff;
	_ =	sdelay $0x2  }
0x69: {  	s30 =	sshll.u32 s18, $0xC;
	s18 =	sadd.s32 $0x1, s18  }
0x6a: {  	s20 =	sshra.s32 s20, $0x2;
	p0 =	sne.s32 s18, $0x10  }
.Ltmp6:
0x6b: {  	s31 =	sadd.s32 s30, s8;
	[tilespmem:s20+$0x0] =	vst v2;
	(pc) =	sbr.rel @p0 .LBB2_10-.Ltmp6, $4  }
0x6c: {  	[hbm4b:s31+s14] =	stream.strided.scatter [tilespmem:s1], [sflag:$0x3], $0x1000, s15, s14, $0x38;
	[tilespmem:$0x18180] =	vst v63  }
0x6d: {  	_ =	swait.ge [sflag:s16], $0x1000  }
0x6e: {  	[sflag:s16] =	ssyncset.done $0x0  }
0x6f: {  	s19 =	sadd.s32 $0x1011, s19;
	[sflag:s16] =	ssyncadd.s32 $0xFFFFF000  }
0x70: {  	s17 =	sadd.s32 $0x1, s17  }
0x71: {  	p0 =	sne.s32 s17, s9  }
.Ltmp7:
0x72: {  	_ = 	snop;
	(pc) =	sbr.rel @p0 .LBB2_1-.Ltmp7, $1  }
0x73: {  	_ =	sdelay $0x3  }
0x74: {  	_ =	sfence.sel $0x180000  }
0x75: {  	[bflag:$0x0] =	sbarrier.arrive $0xFFFF  }
0x76: {  	p0 =	sne.s32 s2, $0x0;
	_ =	strace $0x90000047  }
0x77: {  	s0 =	sadd.s32 @!p0 $0x100000, s0;
	[bflag:$0x2] =	sbarrier.arrive $0xFFFF  }
0x78: {  	[sflag:s0] =	ssyncadd.tile.s32 @!p0 $0x1;
	_ =	shalt  }
.Lfunc_end2:
_tile_overlayer_lowered:
.L_overlay_start_2:
0x79: {  	(tag) =	ssettag $0x2  }
0x7a: {  	s0 =	rddreg [dreg:$0x0];
	s2 =	stileid.u32  }
0x7b: {  	s1 =	rddreg [dreg:$0x1];
	p0 =	sne.s32 s2, $0x0  }
0x7c: {  	s3 =	rddreg [dreg:$0x2];
	[bflag:$0x3] =	sbarrier.arrive $0xFFFF;
	s2 =	simm.s32 @!p0 $0x1C03  }
0x7d: {  	[timem:s3], [sflag:s2] =	dma.local @!p0 [hbm:s0], s1  }
0x7e: {  	s0 =	simm.s32 @!p0 $0x3  }
0x7f: {  	_ =	swait.ge @!p0 [sflag:s0], s1  }
0x80: {  	s1 =	ssub.s32 @!p0 $0x0, s1;
	[sflag:s0] =	ssyncset.done @!p0 $0x0  }
0x81: {  	[sflag:s0] =	ssyncadd.s32 @!p0 s1  }
0x82: {  	[bflag:$0x3] =	sbarrier.arrive $0xFFFF  }
0x83: {  	_ =	shalt  }

</sc_bundles>
